<compile_context>
chip_gen: v7x
topology: tpu7x:2x2x1
jax: 0.10.2.dev20260603
libtpu: 0.0.44.dev20260713+nightly
codegen_flags: <defaults>
</compile_context>

<pallas_src>
import jax
import jax.numpy as jnp
from jax import lax
from jax.experimental import pallas as pl
from jax.experimental.pallas import tpu as pltpu
from jax.experimental.pallas import tpu_sc as plsc

NC = 2
NS = 16
L = 16
NW = NC * NS
RB = 8
CB = 256
H_TC = 256
HC = 64


def _sc_body(x_hbm, part_hbm, buf0, buf1, acc, tot, sem0, sem1):
    B, C, H, W = x_hbm.shape
    w = lax.axis_index("s") * NC + lax.axis_index("c")
    b = w // 4
    rows_per_w = (H - H_TC) // 4
    row0 = H_TC + (w % 4) * rows_per_w
    n_cb = W // CB
    nchunk = (rows_per_w // RB) * n_cb

    zero = jnp.zeros((L,), jnp.float32)
    for i in range(C):
        acc[pl.ds(i * L, L)] = zero

    lanes = lax.iota(jnp.int32, L)

    def copy(g, buf, sem):
        r = row0 + (g // n_cb) * RB
        col = (g % n_cb) * CB
        return pltpu.make_async_copy(
            x_hbm.at[b, :, pl.ds(r, RB), pl.ds(col, CB)], buf, sem)

    copy(0, buf0, sem0).start()

    def compute(buf):
        def combine(a, b_):
            ma, ia = a
            mb, ib = b_
            gt = mb > ma
            m = jnp.maximum(ma, mb)
            iav = jnp.full((L,), ia, jnp.int32) if isinstance(ia, int) else ia
            ibv = jnp.full((L,), ib, jnp.int32) if isinstance(ib, int) else ib
            return m, jnp.where(gt, ibv, iav)

        NV = CB // L
        def vbody(v, carry):
            i = v // NV
            s = (v % NV) * L
            nodes = [(buf[c, i, pl.ds(s, L)], c) for c in range(C)]
            while len(nodes) > 1:
                nxt = [combine(nodes[k], nodes[k + 1])
                       for k in range(0, len(nodes) - 1, 2)]
                if len(nodes) % 2:
                    nxt.append(nodes[-1])
                nodes = nxt
            m, idx = nodes[0]
            plsc.addupdate_scatter(acc, [idx * L + lanes], m)
            return carry

        lax.fori_loop(0, RB * CB // L, vbody, 0)

    def outer(g2, carry):
        g = g2 * 2
        copy(g, buf0, sem0).wait()
        copy(g + 1, buf1, sem1).start()
        compute(buf0)
        copy(g + 1, buf1, sem1).wait()

        @pl.when(g + 2 < nchunk)
        def _():
            copy(g + 2, buf0, sem0).start()

        compute(buf1)
        return carry

    lax.fori_loop(0, nchunk // 2, outer, 0)

    ci1 = lanes
    ci2 = jnp.minimum(lanes + 16, C - 1)
    t1 = jnp.zeros((L,), jnp.float32)
    t2 = jnp.zeros((L,), jnp.float32)
    for l in range(L):
        t1 = t1 + plsc.load_gather(acc, [ci1 * L + l])
        t2 = t2 + plsc.load_gather(acc, [ci2 * L + l])
    t2 = jnp.where(lanes < C - 16, t2, 0.0)
    tot[pl.ds(0, L)] = t1
    tot[pl.ds(L, L)] = t2
    pltpu.sync_copy(tot, part_hbm.at[pl.ds(w * 2 * L, 2 * L)])


def _tc_body(x_ref, o_ref):
    xb = x_ref[0]
    C = xb.shape[0]
    m = jnp.max(xb, axis=0)
    iota = lax.broadcasted_iota(jnp.int32, xb.shape, 0)
    idx = jnp.min(jnp.where(xb == m[None], iota, C), axis=0)
    contrib = jnp.sum(jnp.where(iota == idx[None], xb, 0.0), axis=(1, 2))

    @pl.when(pl.program_id(1) == 0)
    def _():
        o_ref[...] = jnp.zeros_like(o_ref)

    o_ref[0, 0, :] += contrib


def kernel(x):
    B, C, H, W = x.shape
    mesh = plsc.VectorSubcoreMesh(
        core_axis_name="c", subcore_axis_name="s",
        num_cores=NC, num_subcores=NS)
    sc_fn = pl.kernel(
        _sc_body,
        out_type=jax.ShapeDtypeStruct((NW * 2 * L,), jnp.float32),
        mesh=mesh,
        compiler_params=pltpu.CompilerParams(
            needs_layout_passes=False, use_tc_tiling_on_sc=True),
        scratch_types=[
            pltpu.VMEM((C, RB, CB), jnp.float32),
            pltpu.VMEM((C, RB, CB), jnp.float32),
            pltpu.VMEM((C * L,), jnp.float32),
            pltpu.VMEM((2 * L,), jnp.float32),
            pltpu.SemaphoreType.DMA,
            pltpu.SemaphoreType.DMA,
        ],
    )
    parts = sc_fn(x)
    out_tc = pl.pallas_call(
        _tc_body,
        grid=(B, H_TC // HC),
        in_specs=[pl.BlockSpec((1, C, HC, W), lambda b, h: (b, 0, h, 0))],
        out_specs=pl.BlockSpec((1, 1, C), lambda b, h: (b, 0, 0)),
        out_shape=jax.ShapeDtypeStruct((B, 1, C), x.dtype),
    )(x)
    return out_tc.reshape(B, C) + parts.reshape(B, 4, 2 * L).sum(axis=1)[:, :C]

# --- scband reference (transcript-rebuilt; emitter-appended) ---
"""Pipeline reference for scband-multi-class-segment-wrapper-17428977287719 (READ-ONLY COPY).

The authoritative reference and input builder live on the scoring server;
editing this copy changes nothing except your own understanding.
"""

import jax, jax.numpy as jnp
import numpy as np


def setup_inputs(seed: int = 0) -> dict:
    key = jax.random.key(seed)
    x = jax.random.normal(key, (8, 21, 512, 512), dtype=jnp.float32)
    return {"x": x}


def reference(x):
    # base model is Identity, so out = x
    out = x
    # torch.argmax(out, dim=1, keepdim=True)
    op_max = jnp.argmax(out, axis=1, keepdims=True)  # [B, 1, H, W] int
    # torch.zeros_like(out).scatter_(1, op_max, 1) -> one-hot along channel dim
    C = out.shape[1]
    selected_inds = (jnp.arange(C, dtype=op_max.dtype)[None, :, None, None] == op_max).astype(out.dtype)
    # (out * selected_inds).sum(dim=(-2, -1)) -> [B, C]
    return (out * selected_inds).sum(axis=(-2, -1))

if __name__ == "__main__":
    import jax
    _d = setup_inputs()
    print(jax.jit(kernel)(*tuple(_d.values())))

</pallas_src>

<mosaic_0001>
#map = affine_map<(d0, d1) -> (0, 0, 0, 0)>
#map1 = affine_map<(d0, d1) -> (0)>
module attributes {stable_mosaic.version = 14 : i64} {
  func.func @_sc_body(%arg0: i32, %arg1: i32, %arg2: memref<8x21x512x512xf32, #tpu.memory_space<hbm>>, %arg3: memref<1024xf32, #tpu.memory_space<hbm>>, %arg4: memref<21x8x256xf32, #tpu.memory_space<vmem>>, %arg5: memref<21x8x256xf32, #tpu.memory_space<vmem>>, %arg6: memref<336xf32, #tpu.memory_space<vmem>>, %arg7: memref<32xf32, #tpu.memory_space<vmem>>, %arg8: memref<!tpu.dma_semaphore, #tpu.memory_space<semaphore_mem>>, %arg9: memref<!tpu.dma_semaphore, #tpu.memory_space<semaphore_mem>>) attributes {dimension_semantics = [#tpu.dimension_semantics<core_parallel>, #tpu.dimension_semantics<subcore_parallel>], iteration_bounds = array<i64: 2, 16>, scalar_prefetch = 0 : i64, scratch_operands = 6 : i64, tpu.core_type = #tpu.core_type<sc_vector_subcore>, window_params = [{transform_indices = #map}, {transform_indices = #map1}]} {
    %mul3A = arith.constant 2 : i32
    %mul3A_0 = arith.muli %arg1, %mul3A : i32
    %add3A = arith.addi %mul3A_0, %arg0 : i32
    %jit3A = arith.constant 4 : i32
    %div3A = arith.divsi %add3A, %jit3A : i32
    %sign3A = arith.constant 0 : i32
    %sign3A_1 = arith.cmpi sgt, %add3A, %sign3A : i32
    %sign3A_2 = arith.extui %sign3A_1 : i1 to i32
    %sign3A_3 = arith.constant 0 : i32
    %sign3A_4 = arith.cmpi slt, %add3A, %sign3A_3 : i32
    %sign3A_5 = arith.extui %sign3A_4 : i1 to i32
    %sign3A_6 = arith.subi %sign3A_2, %sign3A_5 : i32
    %sign3A_7 = arith.constant 0 : i32
    %sign3A_8 = arith.cmpi sgt, %jit3A, %sign3A_7 : i32
    %sign3A_9 = arith.extui %sign3A_8 : i1 to i32
    %sign3A_10 = arith.constant 0 : i32
    %sign3A_11 = arith.cmpi slt, %jit3A, %sign3A_10 : i32
    %sign3A_12 = arith.extui %sign3A_11 : i1 to i32
    %sign3A_13 = arith.subi %sign3A_9, %sign3A_12 : i32
    %ne3A = arith.cmpi ne, %sign3A_6, %sign3A_13 : i32
    %rem3A = arith.remsi %add3A, %jit3A : i32
    %ne3A_14 = arith.constant 0 : i32
    %ne3A_15 = arith.cmpi ne, %rem3A, %ne3A_14 : i32
    %and3A = arith.andi %ne3A, %ne3A_15 : i1
    %sub3A = arith.constant 1 : i32
    %sub3A_16 = arith.subi %div3A, %sub3A : i32
    %select_n3A = arith.select %and3A, %sub3A_16, %div3A : i32
    %jit3A_17 = arith.constant 4 : i32
    %eq3A = arith.constant 0 : i32
    %eq3A_18 = arith.cmpi eq, %jit3A_17, %eq3A : i32
    %jit3A_19 = arith.constant 1 : i32
    %select_n3A_20 = arith.select %eq3A_18, %jit3A_19, %jit3A_17 : i32
    %rem3A_21 = arith.remsi %add3A, %select_n3A_20 : i32
    %ne3A_22 = arith.constant 0 : i32
    %ne3A_23 = arith.cmpi ne, %rem3A_21, %ne3A_22 : i32
    %lt3A = arith.constant 0 : i32
    %lt3A_24 = arith.cmpi slt, %rem3A_21, %lt3A : i32
    %lt3A_25 = arith.constant 0 : i32
    %lt3A_26 = arith.cmpi slt, %select_n3A_20, %lt3A_25 : i32
    %ne3A_27 = arith.xori %lt3A_24, %lt3A_26 : i1
    %and3A_28 = arith.andi %ne3A_27, %ne3A_23 : i1
    %add3A_29 = arith.addi %rem3A_21, %select_n3A_20 : i32
    %select_n3A_30 = arith.select %and3A_28, %add3A_29, %rem3A_21 : i32
    %mul3A_31 = arith.constant 64 : i32
    %mul3A_32 = arith.muli %select_n3A_30, %mul3A_31 : i32
    %add3A_33 = arith.constant 256 : i32
    %add3A_34 = arith.addi %add3A_33, %mul3A_32 : i32
    %broadcast_in_dim3A = arith.constant 0.000000e+00 : f32
    %broadcast_in_dim3A_35 = vector.broadcast %broadcast_in_dim3A : f32 to vector<16xf32>
    %swap3A = arith.constant 0 : index
    %swap3A_36 = tpu.vector_load %arg6[%swap3A] {strides = array<i32>} : memref<336xf32, #tpu.memory_space<vmem>>, vector<16xf32>,
    tpu.vector_store %arg6[%swap3A], %broadcast_in_dim3A_35 {strides = array<i32>} : memref<336xf32, #tpu.memory_space<vmem>>, vector<16xf32>,
    %swap3A_37 = arith.constant 16 : index
    %swap3A_38 = tpu.vector_load %arg6[%swap3A_37] {strides = array<i32>} : memref<336xf32, #tpu.memory_space<vmem>>, vector<16xf32>,
    tpu.vector_store %arg6[%swap3A_37], %broadcast_in_dim3A_35 {strides = array<i32>} : memref<336xf32, #tpu.memory_space<vmem>>, vector<16xf32>,
    %swap3A_39 = arith.constant 32 : index
    %swap3A_40 = tpu.vector_load %arg6[%swap3A_39] {strides = array<i32>} : memref<336xf32, #tpu.memory_space<vmem>>, vector<16xf32>,
    tpu.vector_store %arg6[%swap3A_39], %broadcast_in_dim3A_35 {strides = array<i32>} : memref<336xf32, #tpu.memory_space<vmem>>, vector<16xf32>,
    %swap3A_41 = arith.constant 48 : index
    %swap3A_42 = tpu.vector_load %arg6[%swap3A_41] {strides = array<i32>} : memref<336xf32, #tpu.memory_space<vmem>>, vector<16xf32>,
    tpu.vector_store %arg6[%swap3A_41], %broadcast_in_dim3A_35 {strides = array<i32>} : memref<336xf32, #tpu.memory_space<vmem>>, vector<16xf32>,
    %swap3A_43 = arith.constant 64 : index
    %swap3A_44 = tpu.vector_load %arg6[%swap3A_43] {strides = array<i32>} : memref<336xf32, #tpu.memory_space<vmem>>, vector<16xf32>,
    tpu.vector_store %arg6[%swap3A_43], %broadcast_in_dim3A_35 {strides = array<i32>} : memref<336xf32, #tpu.memory_space<vmem>>, vector<16xf32>,
    %swap3A_45 = arith.constant 80 : index
    %swap3A_46 = tpu.vector_load %arg6[%swap3A_45] {strides = array<i32>} : memref<336xf32, #tpu.memory_space<vmem>>, vector<16xf32>,
    tpu.vector_store %arg6[%swap3A_45], %broadcast_in_dim3A_35 {strides = array<i32>} : memref<336xf32, #tpu.memory_space<vmem>>, vector<16xf32>,
    %swap3A_47 = arith.constant 96 : index
    %swap3A_48 = tpu.vector_load %arg6[%swap3A_47] {strides = array<i32>} : memref<336xf32, #tpu.memory_space<vmem>>, vector<16xf32>,
    tpu.vector_store %arg6[%swap3A_47], %broadcast_in_dim3A_35 {strides = array<i32>} : memref<336xf32, #tpu.memory_space<vmem>>, vector<16xf32>,
    %swap3A_49 = arith.constant 112 : index
    %swap3A_50 = tpu.vector_load %arg6[%swap3A_49] {strides = array<i32>} : memref<336xf32, #tpu.memory_space<vmem>>, vector<16xf32>,
    tpu.vector_store %arg6[%swap3A_49], %broadcast_in_dim3A_35 {strides = array<i32>} : memref<336xf32, #tpu.memory_space<vmem>>, vector<16xf32>,
    %swap3A_51 = arith.constant 128 : index
    %swap3A_52 = tpu.vector_load %arg6[%swap3A_51] {strides = array<i32>} : memref<336xf32, #tpu.memory_space<vmem>>, vector<16xf32>,
    tpu.vector_store %arg6[%swap3A_51], %broadcast_in_dim3A_35 {strides = array<i32>} : memref<336xf32, #tpu.memory_space<vmem>>, vector<16xf32>,
    %swap3A_53 = arith.constant 144 : index
    %swap3A_54 = tpu.vector_load %arg6[%swap3A_53] {strides = array<i32>} : memref<336xf32, #tpu.memory_space<vmem>>, vector<16xf32>,
    tpu.vector_store %arg6[%swap3A_53], %broadcast_in_dim3A_35 {strides = array<i32>} : memref<336xf32, #tpu.memory_space<vmem>>, vector<16xf32>,
    %swap3A_55 = arith.constant 160 : index
    %swap3A_56 = tpu.vector_load %arg6[%swap3A_55] {strides = array<i32>} : memref<336xf32, #tpu.memory_space<vmem>>, vector<16xf32>,
    tpu.vector_store %arg6[%swap3A_55], %broadcast_in_dim3A_35 {strides = array<i32>} : memref<336xf32, #tpu.memory_space<vmem>>, vector<16xf32>,
    %swap3A_57 = arith.constant 176 : index
    %swap3A_58 = tpu.vector_load %arg6[%swap3A_57] {strides = array<i32>} : memref<336xf32, #tpu.memory_space<vmem>>, vector<16xf32>,
    tpu.vector_store %arg6[%swap3A_57], %broadcast_in_dim3A_35 {strides = array<i32>} : memref<336xf32, #tpu.memory_space<vmem>>, vector<16xf32>,
    %swap3A_59 = arith.constant 192 : index
    %swap3A_60 = tpu.vector_load %arg6[%swap3A_59] {strides = array<i32>} : memref<336xf32, #tpu.memory_space<vmem>>, vector<16xf32>,
    tpu.vector_store %arg6[%swap3A_59], %broadcast_in_dim3A_35 {strides = array<i32>} : memref<336xf32, #tpu.memory_space<vmem>>, vector<16xf32>,
    %swap3A_61 = arith.constant 208 : index
    %swap3A_62 = tpu.vector_load %arg6[%swap3A_61] {strides = array<i32>} : memref<336xf32, #tpu.memory_space<vmem>>, vector<16xf32>,
    tpu.vector_store %arg6[%swap3A_61], %broadcast_in_dim3A_35 {strides = array<i32>} : memref<336xf32, #tpu.memory_space<vmem>>, vector<16xf32>,
    %swap3A_63 = arith.constant 224 : index
    %swap3A_64 = tpu.vector_load %arg6[%swap3A_63] {strides = array<i32>} : memref<336xf32, #tpu.memory_space<vmem>>, vector<16xf32>,
    tpu.vector_store %arg6[%swap3A_63], %broadcast_in_dim3A_35 {strides = array<i32>} : memref<336xf32, #tpu.memory_space<vmem>>, vector<16xf32>,
    %swap3A_65 = arith.constant 240 : index
    %swap3A_66 = tpu.vector_load %arg6[%swap3A_65] {strides = array<i32>} : memref<336xf32, #tpu.memory_space<vmem>>, vector<16xf32>,
    tpu.vector_store %arg6[%swap3A_65], %broadcast_in_dim3A_35 {strides = array<i32>} : memref<336xf32, #tpu.memory_space<vmem>>, vector<16xf32>,
    %swap3A_67 = arith.constant 256 : index
    %swap3A_68 = tpu.vector_load %arg6[%swap3A_67] {strides = array<i32>} : memref<336xf32, #tpu.memory_space<vmem>>, vector<16xf32>,
    tpu.vector_store %arg6[%swap3A_67], %broadcast_in_dim3A_35 {strides = array<i32>} : memref<336xf32, #tpu.memory_space<vmem>>, vector<16xf32>,
    %swap3A_69 = arith.constant 272 : index
    %swap3A_70 = tpu.vector_load %arg6[%swap3A_69] {strides = array<i32>} : memref<336xf32, #tpu.memory_space<vmem>>, vector<16xf32>,
    tpu.vector_store %arg6[%swap3A_69], %broadcast_in_dim3A_35 {strides = array<i32>} : memref<336xf32, #tpu.memory_space<vmem>>, vector<16xf32>,
    %swap3A_71 = arith.constant 288 : index
    %swap3A_72 = tpu.vector_load %arg6[%swap3A_71] {strides = array<i32>} : memref<336xf32, #tpu.memory_space<vmem>>, vector<16xf32>,
    tpu.vector_store %arg6[%swap3A_71], %broadcast_in_dim3A_35 {strides = array<i32>} : memref<336xf32, #tpu.memory_space<vmem>>, vector<16xf32>,
    %swap3A_73 = arith.constant 304 : index
    %swap3A_74 = tpu.vector_load %arg6[%swap3A_73] {strides = array<i32>} : memref<336xf32, #tpu.memory_space<vmem>>, vector<16xf32>,
    tpu.vector_store %arg6[%swap3A_73], %broadcast_in_dim3A_35 {strides = array<i32>} : memref<336xf32, #tpu.memory_space<vmem>>, vector<16xf32>,
    %swap3A_75 = arith.constant 320 : index
    %swap3A_76 = tpu.vector_load %arg6[%swap3A_75] {strides = array<i32>} : memref<336xf32, #tpu.memory_space<vmem>>, vector<16xf32>,
    tpu.vector_store %arg6[%swap3A_75], %broadcast_in_dim3A_35 {strides = array<i32>} : memref<336xf32, #tpu.memory_space<vmem>>, vector<16xf32>,
    %iota3A = tpu.iota {dimensions = array<i32: 0>} : vector<16xi32>
    %add3A_77 = arith.constant 0 : i32
    %add3A_78 = arith.addi %add3A_34, %add3A_77 : i32
    %dma_start3A = arith.constant 0 : i32
    %dma_start3A_79 = arith.constant 0 : i32
    %dma_start3A_80 = tpu.memref_slice %arg2[%select_n3A, %dma_start3A, %add3A_78, %dma_start3A_79] : memref<8x21x512x512xf32, #tpu.memory_space<hbm>> -> memref<1x21x8x256xf32, #tpu.memory_space<hbm>>
    %dma_start3A_81 = tpu.memref_squeeze %dma_start3A_80 : memref<1x21x8x256xf32, #tpu.memory_space<hbm>> -> memref<21x8x256xf32, #tpu.memory_space<hbm>>
    %dma_start3A_82 = arith.constant 0 : i32
    %dma_start3A_83 = arith.constant 0 : i32
    %dma_start3A_84 = tpu.memref_slice %arg2[%select_n3A, %dma_start3A_82, %add3A_78, %dma_start3A_83] : memref<8x21x512x512xf32, #tpu.memory_space<hbm>> -> memref<1x21x8x256xf32, #tpu.memory_space<hbm>>
    %dma_start3A_85 = tpu.memref_squeeze %dma_start3A_84 : memref<1x21x8x256xf32, #tpu.memory_space<hbm>> -> memref<21x8x256xf32, #tpu.memory_space<hbm>>
    tpu.enqueue_dma source(%dma_start3A_85 : memref<21x8x256xf32, #tpu.memory_space<hbm>>) target(%arg4 : memref<21x8x256xf32, #tpu.memory_space<vmem>>) target_semaphore(%arg8 : memref<!tpu.dma_semaphore, #tpu.memory_space<semaphore_mem>>)
    %scan3A = arith.constant 0 : i32
    %scan3A_86 = arith.constant 0 : i32
    %scan3A_87 = arith.constant 8 : i32
    %scan3A_88 = arith.addi %scan3A_86, %scan3A_87 : i32
    %scan3A_89 = arith.constant 1 : i32
    scf.for %scan3A_369 = %scan3A_86 to %scan3A_88 step %scan3A_89  : i32 {
      %mul3A_370 = arith.constant 2 : i32
      %mul3A_371 = arith.muli %scan3A_369, %mul3A_370 : i32
      %jit3A_372 = arith.constant 2 : i32
      %div3A_373 = arith.divsi %mul3A_371, %jit3A_372 : i32
      %sign3A_374 = arith.constant 0 : i32
      %sign3A_375 = arith.cmpi sgt, %mul3A_371, %sign3A_374 : i32
      %sign3A_376 = arith.extui %sign3A_375 : i1 to i32
      %sign3A_377 = arith.constant 0 : i32
      %sign3A_378 = arith.cmpi slt, %mul3A_371, %sign3A_377 : i32
      %sign3A_379 = arith.extui %sign3A_378 : i1 to i32
      %sign3A_380 = arith.subi %sign3A_376, %sign3A_379 : i32
      %sign3A_381 = arith.constant 0 : i32
      %sign3A_382 = arith.cmpi sgt, %jit3A_372, %sign3A_381 : i32
      %sign3A_383 = arith.extui %sign3A_382 : i1 to i32
      %sign3A_384 = arith.constant 0 : i32
      %sign3A_385 = arith.cmpi slt, %jit3A_372, %sign3A_384 : i32
      %sign3A_386 = arith.extui %sign3A_385 : i1 to i32
      %sign3A_387 = arith.subi %sign3A_383, %sign3A_386 : i32
      %ne3A_388 = arith.cmpi ne, %sign3A_380, %sign3A_387 : i32
      %rem3A_389 = arith.remsi %mul3A_371, %jit3A_372 : i32
      %ne3A_390 = arith.constant 0 : i32
      %ne3A_391 = arith.cmpi ne, %rem3A_389, %ne3A_390 : i32
      %and3A_392 = arith.andi %ne3A_388, %ne3A_391 : i1
      %sub3A_393 = arith.constant 1 : i32
      %sub3A_394 = arith.subi %div3A_373, %sub3A_393 : i32
      %select_n3A_395 = arith.select %and3A_392, %sub3A_394, %div3A_373 : i32
      %mul3A_396 = arith.constant 8 : i32
      %mul3A_397 = arith.muli %select_n3A_395, %mul3A_396 : i32
      %add3A_398 = arith.addi %add3A_34, %mul3A_397 : i32
      %jit3A_399 = arith.constant 2 : i32
      %eq3A_400 = arith.constant 0 : i32
      %eq3A_401 = arith.cmpi eq, %jit3A_399, %eq3A_400 : i32
      %jit3A_402 = arith.constant 1 : i32
      %select_n3A_403 = arith.select %eq3A_401, %jit3A_402, %jit3A_399 : i32
      %rem3A_404 = arith.remsi %mul3A_371, %select_n3A_403 : i32
      %ne3A_405 = arith.constant 0 : i32
      %ne3A_406 = arith.cmpi ne, %rem3A_404, %ne3A_405 : i32
      %lt3A_407 = arith.constant 0 : i32
      %lt3A_408 = arith.cmpi slt, %rem3A_404, %lt3A_407 : i32
      %lt3A_409 = arith.constant 0 : i32
      %lt3A_410 = arith.cmpi slt, %select_n3A_403, %lt3A_409 : i32
      %ne3A_411 = arith.xori %lt3A_408, %lt3A_410 : i1
      %and3A_412 = arith.andi %ne3A_411, %ne3A_406 : i1
      %add3A_413 = arith.addi %rem3A_404, %select_n3A_403 : i32
      %select_n3A_414 = arith.select %and3A_412, %add3A_413, %rem3A_404 : i32
      %mul3A_415 = arith.constant 256 : i32
      %mul3A_416 = arith.muli %select_n3A_414, %mul3A_415 : i32
      %dma_wait3A = arith.constant 0 : i32
      %dma_wait3A_417 = tpu.memref_slice %arg2[%select_n3A, %dma_wait3A, %add3A_398, %mul3A_416] : memref<8x21x512x512xf32, #tpu.memory_space<hbm>> -> memref<1x21x8x256xf32, #tpu.memory_space<hbm>>
      %dma_wait3A_418 = tpu.memref_squeeze %dma_wait3A_417 : memref<1x21x8x256xf32, #tpu.memory_space<hbm>> -> memref<21x8x256xf32, #tpu.memory_space<hbm>>
      %dma_wait3A_419 = arith.constant 0 : i32
      %dma_wait3A_420 = tpu.memref_slice %arg2[%select_n3A, %dma_wait3A_419, %add3A_398, %mul3A_416] : memref<8x21x512x512xf32, #tpu.memory_space<hbm>> -> memref<1x21x8x256xf32, #tpu.memory_space<hbm>>
      %dma_wait3A_421 = tpu.memref_squeeze %dma_wait3A_420 : memref<1x21x8x256xf32, #tpu.memory_space<hbm>> -> memref<21x8x256xf32, #tpu.memory_space<hbm>>
      tpu.wait_dma2 semaphore(%arg8 : memref<!tpu.dma_semaphore, #tpu.memory_space<semaphore_mem>>) src(%dma_wait3A_421 : memref<21x8x256xf32, #tpu.memory_space<hbm>>) dst(%arg4 : memref<21x8x256xf32, #tpu.memory_space<vmem>>)
      %add3A_422 = arith.constant 1 : i32
      %add3A_423 = arith.addi %mul3A_371, %add3A_422 : i32
      %jit3A_424 = arith.constant 2 : i32
      %div3A_425 = arith.divsi %add3A_423, %jit3A_424 : i32
      %sign3A_426 = arith.constant 0 : i32
      %sign3A_427 = arith.cmpi sgt, %add3A_423, %sign3A_426 : i32
      %sign3A_428 = arith.extui %sign3A_427 : i1 to i32
      %sign3A_429 = arith.constant 0 : i32
      %sign3A_430 = arith.cmpi slt, %add3A_423, %sign3A_429 : i32
      %sign3A_431 = arith.extui %sign3A_430 : i1 to i32
      %sign3A_432 = arith.subi %sign3A_428, %sign3A_431 : i32
      %sign3A_433 = arith.constant 0 : i32
      %sign3A_434 = arith.cmpi sgt, %jit3A_424, %sign3A_433 : i32
      %sign3A_435 = arith.extui %sign3A_434 : i1 to i32
      %sign3A_436 = arith.constant 0 : i32
      %sign3A_437 = arith.cmpi slt, %jit3A_424, %sign3A_436 : i32
      %sign3A_438 = arith.extui %sign3A_437 : i1 to i32
      %sign3A_439 = arith.subi %sign3A_435, %sign3A_438 : i32
      %ne3A_440 = arith.cmpi ne, %sign3A_432, %sign3A_439 : i32
      %rem3A_441 = arith.remsi %add3A_423, %jit3A_424 : i32
      %ne3A_442 = arith.constant 0 : i32
      %ne3A_443 = arith.cmpi ne, %rem3A_441, %ne3A_442 : i32
      %and3A_444 = arith.andi %ne3A_440, %ne3A_443 : i1
      %sub3A_445 = arith.constant 1 : i32
      %sub3A_446 = arith.subi %div3A_425, %sub3A_445 : i32
      %select_n3A_447 = arith.select %and3A_444, %sub3A_446, %div3A_425 : i32
      %mul3A_448 = arith.constant 8 : i32
      %mul3A_449 = arith.muli %select_n3A_447, %mul3A_448 : i32
      %add3A_450 = arith.addi %add3A_34, %mul3A_449 : i32
      %jit3A_451 = arith.constant 2 : i32
      %eq3A_452 = arith.constant 0 : i32
      %eq3A_453 = arith.cmpi eq, %jit3A_451, %eq3A_452 : i32
      %jit3A_454 = arith.constant 1 : i32
      %select_n3A_455 = arith.select %eq3A_453, %jit3A_454, %jit3A_451 : i32
      %rem3A_456 = arith.remsi %add3A_423, %select_n3A_455 : i32
      %ne3A_457 = arith.constant 0 : i32
      %ne3A_458 = arith.cmpi ne, %rem3A_456, %ne3A_457 : i32
      %lt3A_459 = arith.constant 0 : i32
      %lt3A_460 = arith.cmpi slt, %rem3A_456, %lt3A_459 : i32
      %lt3A_461 = arith.constant 0 : i32
      %lt3A_462 = arith.cmpi slt, %select_n3A_455, %lt3A_461 : i32
      %ne3A_463 = arith.xori %lt3A_460, %lt3A_462 : i1
      %and3A_464 = arith.andi %ne3A_463, %ne3A_458 : i1
      %add3A_465 = arith.addi %rem3A_456, %select_n3A_455 : i32
      %select_n3A_466 = arith.select %and3A_464, %add3A_465, %rem3A_456 : i32
      %mul3A_467 = arith.constant 256 : i32
      %mul3A_468 = arith.muli %select_n3A_466, %mul3A_467 : i32
      %dma_start3A_469 = arith.constant 0 : i32
      %dma_start3A_470 = tpu.memref_slice %arg2[%select_n3A, %dma_start3A_469, %add3A_450, %mul3A_468] : memref<8x21x512x512xf32, #tpu.memory_space<hbm>> -> memref<1x21x8x256xf32, #tpu.memory_space<hbm>>
      %dma_start3A_471 = tpu.memref_squeeze %dma_start3A_470 : memref<1x21x8x256xf32, #tpu.memory_space<hbm>> -> memref<21x8x256xf32, #tpu.memory_space<hbm>>
      %dma_start3A_472 = arith.constant 0 : i32
      %dma_start3A_473 = tpu.memref_slice %arg2[%select_n3A, %dma_start3A_472, %add3A_450, %mul3A_468] : memref<8x21x512x512xf32, #tpu.memory_space<hbm>> -> memref<1x21x8x256xf32, #tpu.memory_space<hbm>>
      %dma_start3A_474 = tpu.memref_squeeze %dma_start3A_473 : memref<1x21x8x256xf32, #tpu.memory_space<hbm>> -> memref<21x8x256xf32, #tpu.memory_space<hbm>>
      tpu.enqueue_dma source(%dma_start3A_474 : memref<21x8x256xf32, #tpu.memory_space<hbm>>) target(%arg5 : memref<21x8x256xf32, #tpu.memory_space<vmem>>) target_semaphore(%arg9 : memref<!tpu.dma_semaphore, #tpu.memory_space<semaphore_mem>>)
      %scan3A_475 = arith.constant 0 : i32
      %scan3A_476 = arith.constant 0 : i32
      %scan3A_477 = arith.constant 128 : i32
      %scan3A_478 = arith.addi %scan3A_476, %scan3A_477 : i32
      %scan3A_479 = arith.constant 1 : i32
      scf.for %scan3A_545 = %scan3A_476 to %scan3A_478 step %scan3A_479  : i32 {
        %jit3A_546 = arith.constant 16 : i32
        %div3A_547 = arith.divsi %scan3A_545, %jit3A_546 : i32
        %sign3A_548 = arith.constant 0 : i32
        %sign3A_549 = arith.cmpi sgt, %scan3A_545, %sign3A_548 : i32
        %sign3A_550 = arith.extui %sign3A_549 : i1 to i32
        %sign3A_551 = arith.constant 0 : i32
        %sign3A_552 = arith.cmpi slt, %scan3A_545, %sign3A_551 : i32
        %sign3A_553 = arith.extui %sign3A_552 : i1 to i32
        %sign3A_554 = arith.subi %sign3A_550, %sign3A_553 : i32
        %sign3A_555 = arith.constant 0 : i32
        %sign3A_556 = arith.cmpi sgt, %jit3A_546, %sign3A_555 : i32
        %sign3A_557 = arith.extui %sign3A_556 : i1 to i32
        %sign3A_558 = arith.constant 0 : i32
        %sign3A_559 = arith.cmpi slt, %jit3A_546, %sign3A_558 : i32
        %sign3A_560 = arith.extui %sign3A_559 : i1 to i32
        %sign3A_561 = arith.subi %sign3A_557, %sign3A_560 : i32
        %ne3A_562 = arith.cmpi ne, %sign3A_554, %sign3A_561 : i32
        %rem3A_563 = arith.remsi %scan3A_545, %jit3A_546 : i32
        %ne3A_564 = arith.constant 0 : i32
        %ne3A_565 = arith.cmpi ne, %rem3A_563, %ne3A_564 : i32
        %and3A_566 = arith.andi %ne3A_562, %ne3A_565 : i1
        %sub3A_567 = arith.constant 1 : i32
        %sub3A_568 = arith.subi %div3A_547, %sub3A_567 : i32
        %select_n3A_569 = arith.select %and3A_566, %sub3A_568, %div3A_547 : i32
        %jit3A_570 = arith.constant 16 : i32
        %eq3A_571 = arith.constant 0 : i32
        %eq3A_572 = arith.cmpi eq, %jit3A_570, %eq3A_571 : i32
        %jit3A_573 = arith.constant 1 : i32
        %select_n3A_574 = arith.select %eq3A_572, %jit3A_573, %jit3A_570 : i32
        %rem3A_575 = arith.remsi %scan3A_545, %select_n3A_574 : i32
        %ne3A_576 = arith.constant 0 : i32
        %ne3A_577 = arith.cmpi ne, %rem3A_575, %ne3A_576 : i32
        %lt3A_578 = arith.constant 0 : i32
        %lt3A_579 = arith.cmpi slt, %rem3A_575, %lt3A_578 : i32
        %lt3A_580 = arith.constant 0 : i32
        %lt3A_581 = arith.cmpi slt, %select_n3A_574, %lt3A_580 : i32
        %ne3A_582 = arith.xori %lt3A_579, %lt3A_581 : i1
        %and3A_583 = arith.andi %ne3A_582, %ne3A_577 : i1
        %add3A_584 = arith.addi %rem3A_575, %select_n3A_574 : i32
        %select_n3A_585 = arith.select %and3A_583, %add3A_584, %rem3A_575 : i32
        %mul3A_586 = arith.constant 16 : i32
        %mul3A_587 = arith.muli %select_n3A_585, %mul3A_586 : i32
        %get3A = arith.constant 0 : i32
        %get3A_588 = arith.index_cast %get3A : i32 to index
        %get3A_589 = arith.index_cast %select_n3A_569 : i32 to index
        %get3A_590 = arith.index_cast %mul3A_587 : i32 to index
        %get3A_591 = tpu.vector_load %arg4[%get3A_588, %get3A_589, %get3A_590] {strides = array<i32>} : memref<21x8x256xf32, #tpu.memory_space<vmem>>, vector<16xf32>,
        %get3A_592 = arith.constant 1 : i32
        %get3A_593 = arith.index_cast %get3A_592 : i32 to index
        %get3A_594 = arith.index_cast %select_n3A_569 : i32 to index
        %get3A_595 = arith.index_cast %mul3A_587 : i32 to index
        %get3A_596 = tpu.vector_load %arg4[%get3A_593, %get3A_594, %get3A_595] {strides = array<i32>} : memref<21x8x256xf32, #tpu.memory_space<vmem>>, vector<16xf32>,
        %get3A_597 = arith.constant 2 : i32
        %get3A_598 = arith.index_cast %get3A_597 : i32 to index
        %get3A_599 = arith.index_cast %select_n3A_569 : i32 to index
        %get3A_600 = arith.index_cast %mul3A_587 : i32 to index
        %get3A_601 = tpu.vector_load %arg4[%get3A_598, %get3A_599, %get3A_600] {strides = array<i32>} : memref<21x8x256xf32, #tpu.memory_space<vmem>>, vector<16xf32>,
        %get3A_602 = arith.constant 3 : i32
        %get3A_603 = arith.index_cast %get3A_602 : i32 to index
        %get3A_604 = arith.index_cast %select_n3A_569 : i32 to index
        %get3A_605 = arith.index_cast %mul3A_587 : i32 to index
        %get3A_606 = tpu.vector_load %arg4[%get3A_603, %get3A_604, %get3A_605] {strides = array<i32>} : memref<21x8x256xf32, #tpu.memory_space<vmem>>, vector<16xf32>,
        %get3A_607 = arith.constant 4 : i32
        %get3A_608 = arith.index_cast %get3A_607 : i32 to index
        %get3A_609 = arith.index_cast %select_n3A_569 : i32 to index
        %get3A_610 = arith.index_cast %mul3A_587 : i32 to index
        %get3A_611 = tpu.vector_load %arg4[%get3A_608, %get3A_609, %get3A_610] {strides = array<i32>} : memref<21x8x256xf32, #tpu.memory_space<vmem>>, vector<16xf32>,
        %get3A_612 = arith.constant 5 : i32
        %get3A_613 = arith.index_cast %get3A_612 : i32 to index
        %get3A_614 = arith.index_cast %select_n3A_569 : i32 to index
        %get3A_615 = arith.index_cast %mul3A_587 : i32 to index
        %get3A_616 = tpu.vector_load %arg4[%get3A_613, %get3A_614, %get3A_615] {strides = array<i32>} : memref<21x8x256xf32, #tpu.memory_space<vmem>>, vector<16xf32>,
        %get3A_617 = arith.constant 6 : i32
        %get3A_618 = arith.index_cast %get3A_617 : i32 to index
        %get3A_619 = arith.index_cast %select_n3A_569 : i32 to index
        %get3A_620 = arith.index_cast %mul3A_587 : i32 to index
        %get3A_621 = tpu.vector_load %arg4[%get3A_618, %get3A_619, %get3A_620] {strides = array<i32>} : memref<21x8x256xf32, #tpu.memory_space<vmem>>, vector<16xf32>,
        %get3A_622 = arith.constant 7 : i32
        %get3A_623 = arith.index_cast %get3A_622 : i32 to index
        %get3A_624 = arith.index_cast %select_n3A_569 : i32 to index
        %get3A_625 = arith.index_cast %mul3A_587 : i32 to index
        %get3A_626 = tpu.vector_load %arg4[%get3A_623, %get3A_624, %get3A_625] {strides = array<i32>} : memref<21x8x256xf32, #tpu.memory_space<vmem>>, vector<16xf32>,
        %get3A_627 = arith.constant 8 : i32
        %get3A_628 = arith.index_cast %get3A_627 : i32 to index
        %get3A_629 = arith.index_cast %select_n3A_569 : i32 to index
        %get3A_630 = arith.index_cast %mul3A_587 : i32 to index
        %get3A_631 = tpu.vector_load %arg4[%get3A_628, %get3A_629, %get3A_630] {strides = array<i32>} : memref<21x8x256xf32, #tpu.memory_space<vmem>>, vector<16xf32>,
        %get3A_632 = arith.constant 9 : i32
        %get3A_633 = arith.index_cast %get3A_632 : i32 to index
        %get3A_634 = arith.index_cast %select_n3A_569 : i32 to index
        %get3A_635 = arith.index_cast %mul3A_587 : i32 to index
        %get3A_636 = tpu.vector_load %arg4[%get3A_633, %get3A_634, %get3A_635] {strides = array<i32>} : memref<21x8x256xf32, #tpu.memory_space<vmem>>, vector<16xf32>,
        %get3A_637 = arith.constant 10 : i32
        %get3A_638 = arith.index_cast %get3A_637 : i32 to index
        %get3A_639 = arith.index_cast %select_n3A_569 : i32 to index
        %get3A_640 = arith.index_cast %mul3A_587 : i32 to index
        %get3A_641 = tpu.vector_load %arg4[%get3A_638, %get3A_639, %get3A_640] {strides = array<i32>} : memref<21x8x256xf32, #tpu.memory_space<vmem>>, vector<16xf32>,
        %get3A_642 = arith.constant 11 : i32
        %get3A_643 = arith.index_cast %get3A_642 : i32 to index
        %get3A_644 = arith.index_cast %select_n3A_569 : i32 to index
        %get3A_645 = arith.index_cast %mul3A_587 : i32 to index
        %get3A_646 = tpu.vector_load %arg4[%get3A_643, %get3A_644, %get3A_645] {strides = array<i32>} : memref<21x8x256xf32, #tpu.memory_space<vmem>>, vector<16xf32>,
        %get3A_647 = arith.constant 12 : i32
        %get3A_648 = arith.index_cast %get3A_647 : i32 to index
        %get3A_649 = arith.index_cast %select_n3A_569 : i32 to index
        %get3A_650 = arith.index_cast %mul3A_587 : i32 to index
        %get3A_651 = tpu.vector_load %arg4[%get3A_648, %get3A_649, %get3A_650] {strides = array<i32>} : memref<21x8x256xf32, #tpu.memory_space<vmem>>, vector<16xf32>,
        %get3A_652 = arith.constant 13 : i32
        %get3A_653 = arith.index_cast %get3A_652 : i32 to index
        %get3A_654 = arith.index_cast %select_n3A_569 : i32 to index
        %get3A_655 = arith.index_cast %mul3A_587 : i32 to index
        %get3A_656 = tpu.vector_load %arg4[%get3A_653, %get3A_654, %get3A_655] {strides = array<i32>} : memref<21x8x256xf32, #tpu.memory_space<vmem>>, vector<16xf32>,
        %get3A_657 = arith.constant 14 : i32
        %get3A_658 = arith.index_cast %get3A_657 : i32 to index
        %get3A_659 = arith.index_cast %select_n3A_569 : i32 to index
        %get3A_660 = arith.index_cast %mul3A_587 : i32 to index
        %get3A_661 = tpu.vector_load %arg4[%get3A_658, %get3A_659, %get3A_660] {strides = array<i32>} : memref<21x8x256xf32, #tpu.memory_space<vmem>>, vector<16xf32>,
        %get3A_662 = arith.constant 15 : i32
        %get3A_663 = arith.index_cast %get3A_662 : i32 to index
        %get3A_664 = arith.index_cast %select_n3A_569 : i32 to index
        %get3A_665 = arith.index_cast %mul3A_587 : i32 to index
        %get3A_666 = tpu.vector_load %arg4[%get3A_663, %get3A_664, %get3A_665] {strides = array<i32>} : memref<21x8x256xf32, #tpu.memory_space<vmem>>, vector<16xf32>,
        %get3A_667 = arith.constant 16 : i32
        %get3A_668 = arith.index_cast %get3A_667 : i32 to index
        %get3A_669 = arith.index_cast %select_n3A_569 : i32 to index
        %get3A_670 = arith.index_cast %mul3A_587 : i32 to index
        %get3A_671 = tpu.vector_load %arg4[%get3A_668, %get3A_669, %get3A_670] {strides = array<i32>} : memref<21x8x256xf32, #tpu.memory_space<vmem>>, vector<16xf32>,
        %get3A_672 = arith.constant 17 : i32
        %get3A_673 = arith.index_cast %get3A_672 : i32 to index
        %get3A_674 = arith.index_cast %select_n3A_569 : i32 to index
        %get3A_675 = arith.index_cast %mul3A_587 : i32 to index
        %get3A_676 = tpu.vector_load %arg4[%get3A_673, %get3A_674, %get3A_675] {strides = array<i32>} : memref<21x8x256xf32, #tpu.memory_space<vmem>>, vector<16xf32>,
        %get3A_677 = arith.constant 18 : i32
        %get3A_678 = arith.index_cast %get3A_677 : i32 to index
        %get3A_679 = arith.index_cast %select_n3A_569 : i32 to index
        %get3A_680 = arith.index_cast %mul3A_587 : i32 to index
        %get3A_681 = tpu.vector_load %arg4[%get3A_678, %get3A_679, %get3A_680] {strides = array<i32>} : memref<21x8x256xf32, #tpu.memory_space<vmem>>, vector<16xf32>,
        %get3A_682 = arith.constant 19 : i32
        %get3A_683 = arith.index_cast %get3A_682 : i32 to index
        %get3A_684 = arith.index_cast %select_n3A_569 : i32 to index
        %get3A_685 = arith.index_cast %mul3A_587 : i32 to index
        %get3A_686 = tpu.vector_load %arg4[%get3A_683, %get3A_684, %get3A_685] {strides = array<i32>} : memref<21x8x256xf32, #tpu.memory_space<vmem>>, vector<16xf32>,
        %get3A_687 = arith.constant 20 : i32
        %get3A_688 = arith.index_cast %get3A_687 : i32 to index
        %get3A_689 = arith.index_cast %select_n3A_569 : i32 to index
        %get3A_690 = arith.index_cast %mul3A_587 : i32 to index
        %get3A_691 = tpu.vector_load %arg4[%get3A_688, %get3A_689, %get3A_690] {strides = array<i32>} : memref<21x8x256xf32, #tpu.memory_space<vmem>>, vector<16xf32>,
        %gt3A = arith.cmpf ogt, %get3A_596, %get3A_591 : vector<16xf32>
        %max3A = arith.maximumf %get3A_591, %get3A_596 : vector<16xf32>
        %broadcast_in_dim3A_692 = arith.constant 0 : i32
        %broadcast_in_dim3A_693 = vector.broadcast %broadcast_in_dim3A_692 : i32 to vector<16xi32>
        %broadcast_in_dim3A_694 = arith.constant 1 : i32
        %broadcast_in_dim3A_695 = vector.broadcast %broadcast_in_dim3A_694 : i32 to vector<16xi32>
        %select_n3A_696 = arith.select %gt3A, %broadcast_in_dim3A_695, %broadcast_in_dim3A_693 : vector<16xi1>, vector<16xi32>
        %gt3A_697 = arith.cmpf ogt, %get3A_606, %get3A_601 : vector<16xf32>
        %max3A_698 = arith.maximumf %get3A_601, %get3A_606 : vector<16xf32>
        %broadcast_in_dim3A_699 = arith.constant 2 : i32
        %broadcast_in_dim3A_700 = vector.broadcast %broadcast_in_dim3A_699 : i32 to vector<16xi32>
        %broadcast_in_dim3A_701 = arith.constant 3 : i32
        %broadcast_in_dim3A_702 = vector.broadcast %broadcast_in_dim3A_701 : i32 to vector<16xi32>
        %select_n3A_703 = arith.select %gt3A_697, %broadcast_in_dim3A_702, %broadcast_in_dim3A_700 : vector<16xi1>, vector<16xi32>
        %gt3A_704 = arith.cmpf ogt, %get3A_616, %get3A_611 : vector<16xf32>
        %max3A_705 = arith.maximumf %get3A_611, %get3A_616 : vector<16xf32>
        %broadcast_in_dim3A_706 = arith.constant 4 : i32
        %broadcast_in_dim3A_707 = vector.broadcast %broadcast_in_dim3A_706 : i32 to vector<16xi32>
        %broadcast_in_dim3A_708 = arith.constant 5 : i32
        %broadcast_in_dim3A_709 = vector.broadcast %broadcast_in_dim3A_708 : i32 to vector<16xi32>
        %select_n3A_710 = arith.select %gt3A_704, %broadcast_in_dim3A_709, %broadcast_in_dim3A_707 : vector<16xi1>, vector<16xi32>
        %gt3A_711 = arith.cmpf ogt, %get3A_626, %get3A_621 : vector<16xf32>
        %max3A_712 = arith.maximumf %get3A_621, %get3A_626 : vector<16xf32>
        %broadcast_in_dim3A_713 = arith.constant 6 : i32
        %broadcast_in_dim3A_714 = vector.broadcast %broadcast_in_dim3A_713 : i32 to vector<16xi32>
        %broadcast_in_dim3A_715 = arith.constant 7 : i32
        %broadcast_in_dim3A_716 = vector.broadcast %broadcast_in_dim3A_715 : i32 to vector<16xi32>
        %select_n3A_717 = arith.select %gt3A_711, %broadcast_in_dim3A_716, %broadcast_in_dim3A_714 : vector<16xi1>, vector<16xi32>
        %gt3A_718 = arith.cmpf ogt, %get3A_636, %get3A_631 : vector<16xf32>
        %max3A_719 = arith.maximumf %get3A_631, %get3A_636 : vector<16xf32>
        %broadcast_in_dim3A_720 = arith.constant 8 : i32
        %broadcast_in_dim3A_721 = vector.broadcast %broadcast_in_dim3A_720 : i32 to vector<16xi32>
        %broadcast_in_dim3A_722 = arith.constant 9 : i32
        %broadcast_in_dim3A_723 = vector.broadcast %broadcast_in_dim3A_722 : i32 to vector<16xi32>
        %select_n3A_724 = arith.select %gt3A_718, %broadcast_in_dim3A_723, %broadcast_in_dim3A_721 : vector<16xi1>, vector<16xi32>
        %gt3A_725 = arith.cmpf ogt, %get3A_646, %get3A_641 : vector<16xf32>
        %max3A_726 = arith.maximumf %get3A_641, %get3A_646 : vector<16xf32>
        %broadcast_in_dim3A_727 = arith.constant 10 : i32
        %broadcast_in_dim3A_728 = vector.broadcast %broadcast_in_dim3A_727 : i32 to vector<16xi32>
        %broadcast_in_dim3A_729 = arith.constant 11 : i32
        %broadcast_in_dim3A_730 = vector.broadcast %broadcast_in_dim3A_729 : i32 to vector<16xi32>
        %select_n3A_731 = arith.select %gt3A_725, %broadcast_in_dim3A_730, %broadcast_in_dim3A_728 : vector<16xi1>, vector<16xi32>
        %gt3A_732 = arith.cmpf ogt, %get3A_656, %get3A_651 : vector<16xf32>
        %max3A_733 = arith.maximumf %get3A_651, %get3A_656 : vector<16xf32>
        %broadcast_in_dim3A_734 = arith.constant 12 : i32
        %broadcast_in_dim3A_735 = vector.broadcast %broadcast_in_dim3A_734 : i32 to vector<16xi32>
        %broadcast_in_dim3A_736 = arith.constant 13 : i32
        %broadcast_in_dim3A_737 = vector.broadcast %broadcast_in_dim3A_736 : i32 to vector<16xi32>
        %select_n3A_738 = arith.select %gt3A_732, %broadcast_in_dim3A_737, %broadcast_in_dim3A_735 : vector<16xi1>, vector<16xi32>
        %gt3A_739 = arith.cmpf ogt, %get3A_666, %get3A_661 : vector<16xf32>
        %max3A_740 = arith.maximumf %get3A_661, %get3A_666 : vector<16xf32>
        %broadcast_in_dim3A_741 = arith.constant 14 : i32
        %broadcast_in_dim3A_742 = vector.broadcast %broadcast_in_dim3A_741 : i32 to vector<16xi32>
        %broadcast_in_dim3A_743 = arith.constant 15 : i32
        %broadcast_in_dim3A_744 = vector.broadcast %broadcast_in_dim3A_743 : i32 to vector<16xi32>
        %select_n3A_745 = arith.select %gt3A_739, %broadcast_in_dim3A_744, %broadcast_in_dim3A_742 : vector<16xi1>, vector<16xi32>
        %gt3A_746 = arith.cmpf ogt, %get3A_676, %get3A_671 : vector<16xf32>
        %max3A_747 = arith.maximumf %get3A_671, %get3A_676 : vector<16xf32>
        %broadcast_in_dim3A_748 = arith.constant 16 : i32
        %broadcast_in_dim3A_749 = vector.broadcast %broadcast_in_dim3A_748 : i32 to vector<16xi32>
        %broadcast_in_dim3A_750 = arith.constant 17 : i32
        %broadcast_in_dim3A_751 = vector.broadcast %broadcast_in_dim3A_750 : i32 to vector<16xi32>
        %select_n3A_752 = arith.select %gt3A_746, %broadcast_in_dim3A_751, %broadcast_in_dim3A_749 : vector<16xi1>, vector<16xi32>
        %gt3A_753 = arith.cmpf ogt, %get3A_686, %get3A_681 : vector<16xf32>
        %max3A_754 = arith.maximumf %get3A_681, %get3A_686 : vector<16xf32>
        %broadcast_in_dim3A_755 = arith.constant 18 : i32
        %broadcast_in_dim3A_756 = vector.broadcast %broadcast_in_dim3A_755 : i32 to vector<16xi32>
        %broadcast_in_dim3A_757 = arith.constant 19 : i32
        %broadcast_in_dim3A_758 = vector.broadcast %broadcast_in_dim3A_757 : i32 to vector<16xi32>
        %select_n3A_759 = arith.select %gt3A_753, %broadcast_in_dim3A_758, %broadcast_in_dim3A_756 : vector<16xi1>, vector<16xi32>
        %gt3A_760 = arith.cmpf ogt, %max3A_698, %max3A : vector<16xf32>
        %max3A_761 = arith.maximumf %max3A, %max3A_698 : vector<16xf32>
        %select_n3A_762 = arith.select %gt3A_760, %select_n3A_703, %select_n3A_696 : vector<16xi1>, vector<16xi32>
        %gt3A_763 = arith.cmpf ogt, %max3A_712, %max3A_705 : vector<16xf32>
        %max3A_764 = arith.maximumf %max3A_705, %max3A_712 : vector<16xf32>
        %select_n3A_765 = arith.select %gt3A_763, %select_n3A_717, %select_n3A_710 : vector<16xi1>, vector<16xi32>
        %gt3A_766 = arith.cmpf ogt, %max3A_726, %max3A_719 : vector<16xf32>
        %max3A_767 = arith.maximumf %max3A_719, %max3A_726 : vector<16xf32>
        %select_n3A_768 = arith.select %gt3A_766, %select_n3A_731, %select_n3A_724 : vector<16xi1>, vector<16xi32>
        %gt3A_769 = arith.cmpf ogt, %max3A_740, %max3A_733 : vector<16xf32>
        %max3A_770 = arith.maximumf %max3A_733, %max3A_740 : vector<16xf32>
        %select_n3A_771 = arith.select %gt3A_769, %select_n3A_745, %select_n3A_738 : vector<16xi1>, vector<16xi32>
        %gt3A_772 = arith.cmpf ogt, %max3A_754, %max3A_747 : vector<16xf32>
        %max3A_773 = arith.maximumf %max3A_747, %max3A_754 : vector<16xf32>
        %select_n3A_774 = arith.select %gt3A_772, %select_n3A_759, %select_n3A_752 : vector<16xi1>, vector<16xi32>
        %gt3A_775 = arith.cmpf ogt, %max3A_764, %max3A_761 : vector<16xf32>
        %max3A_776 = arith.maximumf %max3A_761, %max3A_764 : vector<16xf32>
        %select_n3A_777 = arith.select %gt3A_775, %select_n3A_765, %select_n3A_762 : vector<16xi1>, vector<16xi32>
        %gt3A_778 = arith.cmpf ogt, %max3A_770, %max3A_767 : vector<16xf32>
        %max3A_779 = arith.maximumf %max3A_767, %max3A_770 : vector<16xf32>
        %select_n3A_780 = arith.select %gt3A_778, %select_n3A_771, %select_n3A_768 : vector<16xi1>, vector<16xi32>
        %gt3A_781 = arith.cmpf ogt, %get3A_691, %max3A_773 : vector<16xf32>
        %max3A_782 = arith.maximumf %max3A_773, %get3A_691 : vector<16xf32>
        %broadcast_in_dim3A_783 = arith.constant 20 : i32
        %broadcast_in_dim3A_784 = vector.broadcast %broadcast_in_dim3A_783 : i32 to vector<16xi32>
        %select_n3A_785 = arith.select %gt3A_781, %broadcast_in_dim3A_784, %select_n3A_774 : vector<16xi1>, vector<16xi32>
        %gt3A_786 = arith.cmpf ogt, %max3A_779, %max3A_776 : vector<16xf32>
        %max3A_787 = arith.maximumf %max3A_776, %max3A_779 : vector<16xf32>
        %select_n3A_788 = arith.select %gt3A_786, %select_n3A_780, %select_n3A_777 : vector<16xi1>, vector<16xi32>
        %gt3A_789 = arith.cmpf ogt, %max3A_782, %max3A_787 : vector<16xf32>
        %max3A_790 = arith.maximumf %max3A_787, %max3A_782 : vector<16xf32>
        %select_n3A_791 = arith.select %gt3A_789, %select_n3A_785, %select_n3A_788 : vector<16xi1>, vector<16xi32>
        %mul3A_792 = arith.constant 16 : i32
        %mul3A_793 = vector.broadcast %mul3A_792 : i32 to vector<16xi32>
        %mul3A_794 = arith.muli %select_n3A_791, %mul3A_793 : vector<16xi32>
        %add3A_795 = arith.addi %mul3A_794, %iota3A : vector<16xi32>
        tpu.vector_store_idx %arg6[%add3A_795], %max3A_790 {add = true} : memref<336xf32, #tpu.memory_space<vmem>>[vector<16xi32>], vector<16xf32>,
      }
      %scan3A_480 = arith.constant 128 : i32
      %add3A_481 = arith.constant 1 : i32
      %add3A_482 = arith.addi %mul3A_371, %add3A_481 : i32
      %jit3A_483 = arith.constant 2 : i32
      %div3A_484 = arith.divsi %add3A_482, %jit3A_483 : i32
      %sign3A_485 = arith.constant 0 : i32
      %sign3A_486 = arith.cmpi sgt, %add3A_482, %sign3A_485 : i32
      %sign3A_487 = arith.extui %sign3A_486 : i1 to i32
      %sign3A_488 = arith.constant 0 : i32
      %sign3A_489 = arith.cmpi slt, %add3A_482, %sign3A_488 : i32
      %sign3A_490 = arith.extui %sign3A_489 : i1 to i32
      %sign3A_491 = arith.subi %sign3A_487, %sign3A_490 : i32
      %sign3A_492 = arith.constant 0 : i32
      %sign3A_493 = arith.cmpi sgt, %jit3A_483, %sign3A_492 : i32
      %sign3A_494 = arith.extui %sign3A_493 : i1 to i32
      %sign3A_495 = arith.constant 0 : i32
      %sign3A_496 = arith.cmpi slt, %jit3A_483, %sign3A_495 : i32
      %sign3A_497 = arith.extui %sign3A_496 : i1 to i32
      %sign3A_498 = arith.subi %sign3A_494, %sign3A_497 : i32
      %ne3A_499 = arith.cmpi ne, %sign3A_491, %sign3A_498 : i32
      %rem3A_500 = arith.remsi %add3A_482, %jit3A_483 : i32
      %ne3A_501 = arith.constant 0 : i32
      %ne3A_502 = arith.cmpi ne, %rem3A_500, %ne3A_501 : i32
      %and3A_503 = arith.andi %ne3A_499, %ne3A_502 : i1
      %sub3A_504 = arith.constant 1 : i32
      %sub3A_505 = arith.subi %div3A_484, %sub3A_504 : i32
      %select_n3A_506 = arith.select %and3A_503, %sub3A_505, %div3A_484 : i32
      %mul3A_507 = arith.constant 8 : i32
      %mul3A_508 = arith.muli %select_n3A_506, %mul3A_507 : i32
      %add3A_509 = arith.addi %add3A_34, %mul3A_508 : i32
      %jit3A_510 = arith.constant 2 : i32
      %eq3A_511 = arith.constant 0 : i32
      %eq3A_512 = arith.cmpi eq, %jit3A_510, %eq3A_511 : i32
      %jit3A_513 = arith.constant 1 : i32
      %select_n3A_514 = arith.select %eq3A_512, %jit3A_513, %jit3A_510 : i32
      %rem3A_515 = arith.remsi %add3A_482, %select_n3A_514 : i32
      %ne3A_516 = arith.constant 0 : i32
      %ne3A_517 = arith.cmpi ne, %rem3A_515, %ne3A_516 : i32
      %lt3A_518 = arith.constant 0 : i32
      %lt3A_519 = arith.cmpi slt, %rem3A_515, %lt3A_518 : i32
      %lt3A_520 = arith.constant 0 : i32
      %lt3A_521 = arith.cmpi slt, %select_n3A_514, %lt3A_520 : i32
      %ne3A_522 = arith.xori %lt3A_519, %lt3A_521 : i1
      %and3A_523 = arith.andi %ne3A_522, %ne3A_517 : i1
      %add3A_524 = arith.addi %rem3A_515, %select_n3A_514 : i32
      %select_n3A_525 = arith.select %and3A_523, %add3A_524, %rem3A_515 : i32
      %mul3A_526 = arith.constant 256 : i32
      %mul3A_527 = arith.muli %select_n3A_525, %mul3A_526 : i32
      %dma_wait3A_528 = arith.constant 0 : i32
      %dma_wait3A_529 = tpu.memref_slice %arg2[%select_n3A, %dma_wait3A_528, %add3A_509, %mul3A_527] : memref<8x21x512x512xf32, #tpu.memory_space<hbm>> -> memref<1x21x8x256xf32, #tpu.memory_space<hbm>>
      %dma_wait3A_530 = tpu.memref_squeeze %dma_wait3A_529 : memref<1x21x8x256xf32, #tpu.memory_space<hbm>> -> memref<21x8x256xf32, #tpu.memory_space<hbm>>
      %dma_wait3A_531 = arith.constant 0 : i32
      %dma_wait3A_532 = tpu.memref_slice %arg2[%select_n3A, %dma_wait3A_531, %add3A_509, %mul3A_527] : memref<8x21x512x512xf32, #tpu.memory_space<hbm>> -> memref<1x21x8x256xf32, #tpu.memory_space<hbm>>
      %dma_wait3A_533 = tpu.memref_squeeze %dma_wait3A_532 : memref<1x21x8x256xf32, #tpu.memory_space<hbm>> -> memref<21x8x256xf32, #tpu.memory_space<hbm>>
      tpu.wait_dma2 semaphore(%arg9 : memref<!tpu.dma_semaphore, #tpu.memory_space<semaphore_mem>>) src(%dma_wait3A_533 : memref<21x8x256xf32, #tpu.memory_space<hbm>>) dst(%arg5 : memref<21x8x256xf32, #tpu.memory_space<vmem>>)
      %add3A_534 = arith.constant 2 : i32
      %add3A_535 = arith.addi %mul3A_371, %add3A_534 : i32
      %lt3A_536 = arith.constant 16 : i32
      %lt3A_537 = arith.cmpi slt, %add3A_535, %lt3A_536 : i32
      %convert_element_type3A = arith.extui %lt3A_537 : i1 to i32
      %cond3A = arith.constant 0 : i32
      %cond3A_538 = arith.cmpi ne, %convert_element_type3A, %cond3A : i32
      scf.if %cond3A_538 {
        %add3A_545 = arith.constant 2 : i32
        %add3A_546 = arith.addi %mul3A_371, %add3A_545 : i32
        %jit3A_547 = arith.constant 2 : i32
        %div3A_548 = arith.divsi %add3A_546, %jit3A_547 : i32
        %sign3A_549 = arith.constant 0 : i32
        %sign3A_550 = arith.cmpi sgt, %add3A_546, %sign3A_549 : i32
        %sign3A_551 = arith.extui %sign3A_550 : i1 to i32
        %sign3A_552 = arith.constant 0 : i32
        %sign3A_553 = arith.cmpi slt, %add3A_546, %sign3A_552 : i32
        %sign3A_554 = arith.extui %sign3A_553 : i1 to i32
        %sign3A_555 = arith.subi %sign3A_551, %sign3A_554 : i32
        %sign3A_556 = arith.constant 0 : i32
        %sign3A_557 = arith.cmpi sgt, %jit3A_547, %sign3A_556 : i32
        %sign3A_558 = arith.extui %sign3A_557 : i1 to i32
        %sign3A_559 = arith.constant 0 : i32
        %sign3A_560 = arith.cmpi slt, %jit3A_547, %sign3A_559 : i32
        %sign3A_561 = arith.extui %sign3A_560 : i1 to i32
        %sign3A_562 = arith.subi %sign3A_558, %sign3A_561 : i32
        %ne3A_563 = arith.cmpi ne, %sign3A_555, %sign3A_562 : i32
        %rem3A_564 = arith.remsi %add3A_546, %jit3A_547 : i32
        %ne3A_565 = arith.constant 0 : i32
        %ne3A_566 = arith.cmpi ne, %rem3A_564, %ne3A_565 : i32
        %and3A_567 = arith.andi %ne3A_563, %ne3A_566 : i1
        %sub3A_568 = arith.constant 1 : i32
        %sub3A_569 = arith.subi %div3A_548, %sub3A_568 : i32
        %select_n3A_570 = arith.select %and3A_567, %sub3A_569, %div3A_548 : i32
        %mul3A_571 = arith.constant 8 : i32
        %mul3A_572 = arith.muli %select_n3A_570, %mul3A_571 : i32
        %add3A_573 = arith.addi %add3A_34, %mul3A_572 : i32
        %jit3A_574 = arith.constant 2 : i32
        %eq3A_575 = arith.constant 0 : i32
        %eq3A_576 = arith.cmpi eq, %jit3A_574, %eq3A_575 : i32
        %jit3A_577 = arith.constant 1 : i32
        %select_n3A_578 = arith.select %eq3A_576, %jit3A_577, %jit3A_574 : i32
        %rem3A_579 = arith.remsi %add3A_546, %select_n3A_578 : i32
        %ne3A_580 = arith.constant 0 : i32
        %ne3A_581 = arith.cmpi ne, %rem3A_579, %ne3A_580 : i32
        %lt3A_582 = arith.constant 0 : i32
        %lt3A_583 = arith.cmpi slt, %rem3A_579, %lt3A_582 : i32
        %lt3A_584 = arith.constant 0 : i32
        %lt3A_585 = arith.cmpi slt, %select_n3A_578, %lt3A_584 : i32
        %ne3A_586 = arith.xori %lt3A_583, %lt3A_585 : i1
        %and3A_587 = arith.andi %ne3A_586, %ne3A_581 : i1
        %add3A_588 = arith.addi %rem3A_579, %select_n3A_578 : i32
        %select_n3A_589 = arith.select %and3A_587, %add3A_588, %rem3A_579 : i32
        %mul3A_590 = arith.constant 256 : i32
        %mul3A_591 = arith.muli %select_n3A_589, %mul3A_590 : i32
        %dma_start3A_592 = arith.constant 0 : i32
        %dma_start3A_593 = tpu.memref_slice %arg2[%select_n3A, %dma_start3A_592, %add3A_573, %mul3A_591] : memref<8x21x512x512xf32, #tpu.memory_space<hbm>> -> memref<1x21x8x256xf32, #tpu.memory_space<hbm>>
        %dma_start3A_594 = tpu.memref_squeeze %dma_start3A_593 : memref<1x21x8x256xf32, #tpu.memory_space<hbm>> -> memref<21x8x256xf32, #tpu.memory_space<hbm>>
        %dma_start3A_595 = arith.constant 0 : i32
        %dma_start3A_596 = tpu.memref_slice %arg2[%select_n3A, %dma_start3A_595, %add3A_573, %mul3A_591] : memref<8x21x512x512xf32, #tpu.memory_space<hbm>> -> memref<1x21x8x256xf32, #tpu.memory_space<hbm>>
        %dma_start3A_597 = tpu.memref_squeeze %dma_start3A_596 : memref<1x21x8x256xf32, #tpu.memory_space<hbm>> -> memref<21x8x256xf32, #tpu.memory_space<hbm>>
        tpu.enqueue_dma source(%dma_start3A_597 : memref<21x8x256xf32, #tpu.memory_space<hbm>>) target(%arg4 : memref<21x8x256xf32, #tpu.memory_space<vmem>>) target_semaphore(%arg8 : memref<!tpu.dma_semaphore, #tpu.memory_space<semaphore_mem>>)
      } else {
      }
      %scan3A_539 = arith.constant 0 : i32
      %scan3A_540 = arith.constant 0 : i32
      %scan3A_541 = arith.constant 128 : i32
      %scan3A_542 = arith.addi %scan3A_540, %scan3A_541 : i32
      %scan3A_543 = arith.constant 1 : i32
      scf.for %scan3A_545 = %scan3A_540 to %scan3A_542 step %scan3A_543  : i32 {
        %jit3A_546 = arith.constant 16 : i32
        %div3A_547 = arith.divsi %scan3A_545, %jit3A_546 : i32
        %sign3A_548 = arith.constant 0 : i32
        %sign3A_549 = arith.cmpi sgt, %scan3A_545, %sign3A_548 : i32
        %sign3A_550 = arith.extui %sign3A_549 : i1 to i32
        %sign3A_551 = arith.constant 0 : i32
        %sign3A_552 = arith.cmpi slt, %scan3A_545, %sign3A_551 : i32
        %sign3A_553 = arith.extui %sign3A_552 : i1 to i32
        %sign3A_554 = arith.subi %sign3A_550, %sign3A_553 : i32
        %sign3A_555 = arith.constant 0 : i32
        %sign3A_556 = arith.cmpi sgt, %jit3A_546, %sign3A_555 : i32
        %sign3A_557 = arith.extui %sign3A_556 : i1 to i32
        %sign3A_558 = arith.constant 0 : i32
        %sign3A_559 = arith.cmpi slt, %jit3A_546, %sign3A_558 : i32
        %sign3A_560 = arith.extui %sign3A_559 : i1 to i32
        %sign3A_561 = arith.subi %sign3A_557, %sign3A_560 : i32
        %ne3A_562 = arith.cmpi ne, %sign3A_554, %sign3A_561 : i32
        %rem3A_563 = arith.remsi %scan3A_545, %jit3A_546 : i32
        %ne3A_564 = arith.constant 0 : i32
        %ne3A_565 = arith.cmpi ne, %rem3A_563, %ne3A_564 : i32
        %and3A_566 = arith.andi %ne3A_562, %ne3A_565 : i1
        %sub3A_567 = arith.constant 1 : i32
        %sub3A_568 = arith.subi %div3A_547, %sub3A_567 : i32
        %select_n3A_569 = arith.select %and3A_566, %sub3A_568, %div3A_547 : i32
        %jit3A_570 = arith.constant 16 : i32
        %eq3A_571 = arith.constant 0 : i32
        %eq3A_572 = arith.cmpi eq, %jit3A_570, %eq3A_571 : i32
        %jit3A_573 = arith.constant 1 : i32
        %select_n3A_574 = arith.select %eq3A_572, %jit3A_573, %jit3A_570 : i32
        %rem3A_575 = arith.remsi %scan3A_545, %select_n3A_574 : i32
        %ne3A_576 = arith.constant 0 : i32
        %ne3A_577 = arith.cmpi ne, %rem3A_575, %ne3A_576 : i32
        %lt3A_578 = arith.constant 0 : i32
        %lt3A_579 = arith.cmpi slt, %rem3A_575, %lt3A_578 : i32
        %lt3A_580 = arith.constant 0 : i32
        %lt3A_581 = arith.cmpi slt, %select_n3A_574, %lt3A_580 : i32
        %ne3A_582 = arith.xori %lt3A_579, %lt3A_581 : i1
        %and3A_583 = arith.andi %ne3A_582, %ne3A_577 : i1
        %add3A_584 = arith.addi %rem3A_575, %select_n3A_574 : i32
        %select_n3A_585 = arith.select %and3A_583, %add3A_584, %rem3A_575 : i32
        %mul3A_586 = arith.constant 16 : i32
        %mul3A_587 = arith.muli %select_n3A_585, %mul3A_586 : i32
        %get3A = arith.constant 0 : i32
        %get3A_588 = arith.index_cast %get3A : i32 to index
        %get3A_589 = arith.index_cast %select_n3A_569 : i32 to index
        %get3A_590 = arith.index_cast %mul3A_587 : i32 to index
        %get3A_591 = tpu.vector_load %arg5[%get3A_588, %get3A_589, %get3A_590] {strides = array<i32>} : memref<21x8x256xf32, #tpu.memory_space<vmem>>, vector<16xf32>,
        %get3A_592 = arith.constant 1 : i32
        %get3A_593 = arith.index_cast %get3A_592 : i32 to index
        %get3A_594 = arith.index_cast %select_n3A_569 : i32 to index
        %get3A_595 = arith.index_cast %mul3A_587 : i32 to index
        %get3A_596 = tpu.vector_load %arg5[%get3A_593, %get3A_594, %get3A_595] {strides = array<i32>} : memref<21x8x256xf32, #tpu.memory_space<vmem>>, vector<16xf32>,
        %get3A_597 = arith.constant 2 : i32
        %get3A_598 = arith.index_cast %get3A_597 : i32 to index
        %get3A_599 = arith.index_cast %select_n3A_569 : i32 to index
        %get3A_600 = arith.index_cast %mul3A_587 : i32 to index
        %get3A_601 = tpu.vector_load %arg5[%get3A_598, %get3A_599, %get3A_600] {strides = array<i32>} : memref<21x8x256xf32, #tpu.memory_space<vmem>>, vector<16xf32>,
        %get3A_602 = arith.constant 3 : i32
        %get3A_603 = arith.index_cast %get3A_602 : i32 to index
        %get3A_604 = arith.index_cast %select_n3A_569 : i32 to index
        %get3A_605 = arith.index_cast %mul3A_587 : i32 to index
        %get3A_606 = tpu.vector_load %arg5[%get3A_603, %get3A_604, %get3A_605] {strides = array<i32>} : memref<21x8x256xf32, #tpu.memory_space<vmem>>, vector<16xf32>,
        %get3A_607 = arith.constant 4 : i32
        %get3A_608 = arith.index_cast %get3A_607 : i32 to index
        %get3A_609 = arith.index_cast %select_n3A_569 : i32 to index
        %get3A_610 = arith.index_cast %mul3A_587 : i32 to index
        %get3A_611 = tpu.vector_load %arg5[%get3A_608, %get3A_609, %get3A_610] {strides = array<i32>} : memref<21x8x256xf32, #tpu.memory_space<vmem>>, vector<16xf32>,
        %get3A_612 = arith.constant 5 : i32
        %get3A_613 = arith.index_cast %get3A_612 : i32 to index
        %get3A_614 = arith.index_cast %select_n3A_569 : i32 to index
        %get3A_615 = arith.index_cast %mul3A_587 : i32 to index
        %get3A_616 = tpu.vector_load %arg5[%get3A_613, %get3A_614, %get3A_615] {strides = array<i32>} : memref<21x8x256xf32, #tpu.memory_space<vmem>>, vector<16xf32>,
        %get3A_617 = arith.constant 6 : i32
        %get3A_618 = arith.index_cast %get3A_617 : i32 to index
        %get3A_619 = arith.index_cast %select_n3A_569 : i32 to index
        %get3A_620 = arith.index_cast %mul3A_587 : i32 to index
        %get3A_621 = tpu.vector_load %arg5[%get3A_618, %get3A_619, %get3A_620] {strides = array<i32>} : memref<21x8x256xf32, #tpu.memory_space<vmem>>, vector<16xf32>,
        %get3A_622 = arith.constant 7 : i32
        %get3A_623 = arith.index_cast %get3A_622 : i32 to index
        %get3A_624 = arith.index_cast %select_n3A_569 : i32 to index
        %get3A_625 = arith.index_cast %mul3A_587 : i32 to index
        %get3A_626 = tpu.vector_load %arg5[%get3A_623, %get3A_624, %get3A_625] {strides = array<i32>} : memref<21x8x256xf32, #tpu.memory_space<vmem>>, vector<16xf32>,
        %get3A_627 = arith.constant 8 : i32
        %get3A_628 = arith.index_cast %get3A_627 : i32 to index
        %get3A_629 = arith.index_cast %select_n3A_569 : i32 to index
        %get3A_630 = arith.index_cast %mul3A_587 : i32 to index
        %get3A_631 = tpu.vector_load %arg5[%get3A_628, %get3A_629, %get3A_630] {strides = array<i32>} : memref<21x8x256xf32, #tpu.memory_space<vmem>>, vector<16xf32>,
        %get3A_632 = arith.constant 9 : i32
        %get3A_633 = arith.index_cast %get3A_632 : i32 to index
        %get3A_634 = arith.index_cast %select_n3A_569 : i32 to index
        %get3A_635 = arith.index_cast %mul3A_587 : i32 to index
        %get3A_636 = tpu.vector_load %arg5[%get3A_633, %get3A_634, %get3A_635] {strides = array<i32>} : memref<21x8x256xf32, #tpu.memory_space<vmem>>, vector<16xf32>,
        %get3A_637 = arith.constant 10 : i32
        %get3A_638 = arith.index_cast %get3A_637 : i32 to index
        %get3A_639 = arith.index_cast %select_n3A_569 : i32 to index
        %get3A_640 = arith.index_cast %mul3A_587 : i32 to index
        %get3A_641 = tpu.vector_load %arg5[%get3A_638, %get3A_639, %get3A_640] {strides = array<i32>} : memref<21x8x256xf32, #tpu.memory_space<vmem>>, vector<16xf32>,
        %get3A_642 = arith.constant 11 : i32
        %get3A_643 = arith.index_cast %get3A_642 : i32 to index
        %get3A_644 = arith.index_cast %select_n3A_569 : i32 to index
        %get3A_645 = arith.index_cast %mul3A_587 : i32 to index
        %get3A_646 = tpu.vector_load %arg5[%get3A_643, %get3A_644, %get3A_645] {strides = array<i32>} : memref<21x8x256xf32, #tpu.memory_space<vmem>>, vector<16xf32>,
        %get3A_647 = arith.constant 12 : i32
        %get3A_648 = arith.index_cast %get3A_647 : i32 to index
        %get3A_649 = arith.index_cast %select_n3A_569 : i32 to index
        %get3A_650 = arith.index_cast %mul3A_587 : i32 to index
        %get3A_651 = tpu.vector_load %arg5[%get3A_648, %get3A_649, %get3A_650] {strides = array<i32>} : memref<21x8x256xf32, #tpu.memory_space<vmem>>, vector<16xf32>,
        %get3A_652 = arith.constant 13 : i32
        %get3A_653 = arith.index_cast %get3A_652 : i32 to index
        %get3A_654 = arith.index_cast %select_n3A_569 : i32 to index
        %get3A_655 = arith.index_cast %mul3A_587 : i32 to index
        %get3A_656 = tpu.vector_load %arg5[%get3A_653, %get3A_654, %get3A_655] {strides = array<i32>} : memref<21x8x256xf32, #tpu.memory_space<vmem>>, vector<16xf32>,
        %get3A_657 = arith.constant 14 : i32
        %get3A_658 = arith.index_cast %get3A_657 : i32 to index
        %get3A_659 = arith.index_cast %select_n3A_569 : i32 to index
        %get3A_660 = arith.index_cast %mul3A_587 : i32 to index
        %get3A_661 = tpu.vector_load %arg5[%get3A_658, %get3A_659, %get3A_660] {strides = array<i32>} : memref<21x8x256xf32, #tpu.memory_space<vmem>>, vector<16xf32>,
        %get3A_662 = arith.constant 15 : i32
        %get3A_663 = arith.index_cast %get3A_662 : i32 to index
        %get3A_664 = arith.index_cast %select_n3A_569 : i32 to index
        %get3A_665 = arith.index_cast %mul3A_587 : i32 to index
        %get3A_666 = tpu.vector_load %arg5[%get3A_663, %get3A_664, %get3A_665] {strides = array<i32>} : memref<21x8x256xf32, #tpu.memory_space<vmem>>, vector<16xf32>,
        %get3A_667 = arith.constant 16 : i32
        %get3A_668 = arith.index_cast %get3A_667 : i32 to index
        %get3A_669 = arith.index_cast %select_n3A_569 : i32 to index
        %get3A_670 = arith.index_cast %mul3A_587 : i32 to index
        %get3A_671 = tpu.vector_load %arg5[%get3A_668, %get3A_669, %get3A_670] {strides = array<i32>} : memref<21x8x256xf32, #tpu.memory_space<vmem>>, vector<16xf32>,
        %get3A_672 = arith.constant 17 : i32
        %get3A_673 = arith.index_cast %get3A_672 : i32 to index
        %get3A_674 = arith.index_cast %select_n3A_569 : i32 to index
        %get3A_675 = arith.index_cast %mul3A_587 : i32 to index
        %get3A_676 = tpu.vector_load %arg5[%get3A_673, %get3A_674, %get3A_675] {strides = array<i32>} : memref<21x8x256xf32, #tpu.memory_space<vmem>>, vector<16xf32>,
        %get3A_677 = arith.constant 18 : i32
        %get3A_678 = arith.index_cast %get3A_677 : i32 to index
        %get3A_679 = arith.index_cast %select_n3A_569 : i32 to index
        %get3A_680 = arith.index_cast %mul3A_587 : i32 to index
        %get3A_681 = tpu.vector_load %arg5[%get3A_678, %get3A_679, %get3A_680] {strides = array<i32>} : memref<21x8x256xf32, #tpu.memory_space<vmem>>, vector<16xf32>,
        %get3A_682 = arith.constant 19 : i32
        %get3A_683 = arith.index_cast %get3A_682 : i32 to index
        %get3A_684 = arith.index_cast %select_n3A_569 : i32 to index
        %get3A_685 = arith.index_cast %mul3A_587 : i32 to index
        %get3A_686 = tpu.vector_load %arg5[%get3A_683, %get3A_684, %get3A_685] {strides = array<i32>} : memref<21x8x256xf32, #tpu.memory_space<vmem>>, vector<16xf32>,
        %get3A_687 = arith.constant 20 : i32
        %get3A_688 = arith.index_cast %get3A_687 : i32 to index
        %get3A_689 = arith.index_cast %select_n3A_569 : i32 to index
        %get3A_690 = arith.index_cast %mul3A_587 : i32 to index
        %get3A_691 = tpu.vector_load %arg5[%get3A_688, %get3A_689, %get3A_690] {strides = array<i32>} : memref<21x8x256xf32, #tpu.memory_space<vmem>>, vector<16xf32>,
        %gt3A = arith.cmpf ogt, %get3A_596, %get3A_591 : vector<16xf32>
        %max3A = arith.maximumf %get3A_591, %get3A_596 : vector<16xf32>
        %broadcast_in_dim3A_692 = arith.constant 0 : i32
        %broadcast_in_dim3A_693 = vector.broadcast %broadcast_in_dim3A_692 : i32 to vector<16xi32>
        %broadcast_in_dim3A_694 = arith.constant 1 : i32
        %broadcast_in_dim3A_695 = vector.broadcast %broadcast_in_dim3A_694 : i32 to vector<16xi32>
        %select_n3A_696 = arith.select %gt3A, %broadcast_in_dim3A_695, %broadcast_in_dim3A_693 : vector<16xi1>, vector<16xi32>
        %gt3A_697 = arith.cmpf ogt, %get3A_606, %get3A_601 : vector<16xf32>
        %max3A_698 = arith.maximumf %get3A_601, %get3A_606 : vector<16xf32>
        %broadcast_in_dim3A_699 = arith.constant 2 : i32
        %broadcast_in_dim3A_700 = vector.broadcast %broadcast_in_dim3A_699 : i32 to vector<16xi32>
        %broadcast_in_dim3A_701 = arith.constant 3 : i32
        %broadcast_in_dim3A_702 = vector.broadcast %broadcast_in_dim3A_701 : i32 to vector<16xi32>
        %select_n3A_703 = arith.select %gt3A_697, %broadcast_in_dim3A_702, %broadcast_in_dim3A_700 : vector<16xi1>, vector<16xi32>
        %gt3A_704 = arith.cmpf ogt, %get3A_616, %get3A_611 : vector<16xf32>
        %max3A_705 = arith.maximumf %get3A_611, %get3A_616 : vector<16xf32>
        %broadcast_in_dim3A_706 = arith.constant 4 : i32
        %broadcast_in_dim3A_707 = vector.broadcast %broadcast_in_dim3A_706 : i32 to vector<16xi32>
        %broadcast_in_dim3A_708 = arith.constant 5 : i32
        %broadcast_in_dim3A_709 = vector.broadcast %broadcast_in_dim3A_708 : i32 to vector<16xi32>
        %select_n3A_710 = arith.select %gt3A_704, %broadcast_in_dim3A_709, %broadcast_in_dim3A_707 : vector<16xi1>, vector<16xi32>
        %gt3A_711 = arith.cmpf ogt, %get3A_626, %get3A_621 : vector<16xf32>
        %max3A_712 = arith.maximumf %get3A_621, %get3A_626 : vector<16xf32>
        %broadcast_in_dim3A_713 = arith.constant 6 : i32
        %broadcast_in_dim3A_714 = vector.broadcast %broadcast_in_dim3A_713 : i32 to vector<16xi32>
        %broadcast_in_dim3A_715 = arith.constant 7 : i32
        %broadcast_in_dim3A_716 = vector.broadcast %broadcast_in_dim3A_715 : i32 to vector<16xi32>
        %select_n3A_717 = arith.select %gt3A_711, %broadcast_in_dim3A_716, %broadcast_in_dim3A_714 : vector<16xi1>, vector<16xi32>
        %gt3A_718 = arith.cmpf ogt, %get3A_636, %get3A_631 : vector<16xf32>
        %max3A_719 = arith.maximumf %get3A_631, %get3A_636 : vector<16xf32>
        %broadcast_in_dim3A_720 = arith.constant 8 : i32
        %broadcast_in_dim3A_721 = vector.broadcast %broadcast_in_dim3A_720 : i32 to vector<16xi32>
        %broadcast_in_dim3A_722 = arith.constant 9 : i32
        %broadcast_in_dim3A_723 = vector.broadcast %broadcast_in_dim3A_722 : i32 to vector<16xi32>
        %select_n3A_724 = arith.select %gt3A_718, %broadcast_in_dim3A_723, %broadcast_in_dim3A_721 : vector<16xi1>, vector<16xi32>
        %gt3A_725 = arith.cmpf ogt, %get3A_646, %get3A_641 : vector<16xf32>
        %max3A_726 = arith.maximumf %get3A_641, %get3A_646 : vector<16xf32>
        %broadcast_in_dim3A_727 = arith.constant 10 : i32
        %broadcast_in_dim3A_728 = vector.broadcast %broadcast_in_dim3A_727 : i32 to vector<16xi32>
        %broadcast_in_dim3A_729 = arith.constant 11 : i32
        %broadcast_in_dim3A_730 = vector.broadcast %broadcast_in_dim3A_729 : i32 to vector<16xi32>
        %select_n3A_731 = arith.select %gt3A_725, %broadcast_in_dim3A_730, %broadcast_in_dim3A_728 : vector<16xi1>, vector<16xi32>
        %gt3A_732 = arith.cmpf ogt, %get3A_656, %get3A_651 : vector<16xf32>
        %max3A_733 = arith.maximumf %get3A_651, %get3A_656 : vector<16xf32>
        %broadcast_in_dim3A_734 = arith.constant 12 : i32
        %broadcast_in_dim3A_735 = vector.broadcast %broadcast_in_dim3A_734 : i32 to vector<16xi32>
        %broadcast_in_dim3A_736 = arith.constant 13 : i32
        %broadcast_in_dim3A_737 = vector.broadcast %broadcast_in_dim3A_736 : i32 to vector<16xi32>
        %select_n3A_738 = arith.select %gt3A_732, %broadcast_in_dim3A_737, %broadcast_in_dim3A_735 : vector<16xi1>, vector<16xi32>
        %gt3A_739 = arith.cmpf ogt, %get3A_666, %get3A_661 : vector<16xf32>
        %max3A_740 = arith.maximumf %get3A_661, %get3A_666 : vector<16xf32>
        %broadcast_in_dim3A_741 = arith.constant 14 : i32
        %broadcast_in_dim3A_742 = vector.broadcast %broadcast_in_dim3A_741 : i32 to vector<16xi32>
        %broadcast_in_dim3A_743 = arith.constant 15 : i32
        %broadcast_in_dim3A_744 = vector.broadcast %broadcast_in_dim3A_743 : i32 to vector<16xi32>
        %select_n3A_745 = arith.select %gt3A_739, %broadcast_in_dim3A_744, %broadcast_in_dim3A_742 : vector<16xi1>, vector<16xi32>
        %gt3A_746 = arith.cmpf ogt, %get3A_676, %get3A_671 : vector<16xf32>
        %max3A_747 = arith.maximumf %get3A_671, %get3A_676 : vector<16xf32>
        %broadcast_in_dim3A_748 = arith.constant 16 : i32
        %broadcast_in_dim3A_749 = vector.broadcast %broadcast_in_dim3A_748 : i32 to vector<16xi32>
        %broadcast_in_dim3A_750 = arith.constant 17 : i32
        %broadcast_in_dim3A_751 = vector.broadcast %broadcast_in_dim3A_750 : i32 to vector<16xi32>
        %select_n3A_752 = arith.select %gt3A_746, %broadcast_in_dim3A_751, %broadcast_in_dim3A_749 : vector<16xi1>, vector<16xi32>
        %gt3A_753 = arith.cmpf ogt, %get3A_686, %get3A_681 : vector<16xf32>
        %max3A_754 = arith.maximumf %get3A_681, %get3A_686 : vector<16xf32>
        %broadcast_in_dim3A_755 = arith.constant 18 : i32
        %broadcast_in_dim3A_756 = vector.broadcast %broadcast_in_dim3A_755 : i32 to vector<16xi32>
        %broadcast_in_dim3A_757 = arith.constant 19 : i32
        %broadcast_in_dim3A_758 = vector.broadcast %broadcast_in_dim3A_757 : i32 to vector<16xi32>
        %select_n3A_759 = arith.select %gt3A_753, %broadcast_in_dim3A_758, %broadcast_in_dim3A_756 : vector<16xi1>, vector<16xi32>
        %gt3A_760 = arith.cmpf ogt, %max3A_698, %max3A : vector<16xf32>
        %max3A_761 = arith.maximumf %max3A, %max3A_698 : vector<16xf32>
        %select_n3A_762 = arith.select %gt3A_760, %select_n3A_703, %select_n3A_696 : vector<16xi1>, vector<16xi32>
        %gt3A_763 = arith.cmpf ogt, %max3A_712, %max3A_705 : vector<16xf32>
        %max3A_764 = arith.maximumf %max3A_705, %max3A_712 : vector<16xf32>
        %select_n3A_765 = arith.select %gt3A_763, %select_n3A_717, %select_n3A_710 : vector<16xi1>, vector<16xi32>
        %gt3A_766 = arith.cmpf ogt, %max3A_726, %max3A_719 : vector<16xf32>
        %max3A_767 = arith.maximumf %max3A_719, %max3A_726 : vector<16xf32>
        %select_n3A_768 = arith.select %gt3A_766, %select_n3A_731, %select_n3A_724 : vector<16xi1>, vector<16xi32>
        %gt3A_769 = arith.cmpf ogt, %max3A_740, %max3A_733 : vector<16xf32>
        %max3A_770 = arith.maximumf %max3A_733, %max3A_740 : vector<16xf32>
        %select_n3A_771 = arith.select %gt3A_769, %select_n3A_745, %select_n3A_738 : vector<16xi1>, vector<16xi32>
        %gt3A_772 = arith.cmpf ogt, %max3A_754, %max3A_747 : vector<16xf32>
        %max3A_773 = arith.maximumf %max3A_747, %max3A_754 : vector<16xf32>
        %select_n3A_774 = arith.select %gt3A_772, %select_n3A_759, %select_n3A_752 : vector<16xi1>, vector<16xi32>
        %gt3A_775 = arith.cmpf ogt, %max3A_764, %max3A_761 : vector<16xf32>
        %max3A_776 = arith.maximumf %max3A_761, %max3A_764 : vector<16xf32>
        %select_n3A_777 = arith.select %gt3A_775, %select_n3A_765, %select_n3A_762 : vector<16xi1>, vector<16xi32>
        %gt3A_778 = arith.cmpf ogt, %max3A_770, %max3A_767 : vector<16xf32>
        %max3A_779 = arith.maximumf %max3A_767, %max3A_770 : vector<16xf32>
        %select_n3A_780 = arith.select %gt3A_778, %select_n3A_771, %select_n3A_768 : vector<16xi1>, vector<16xi32>
        %gt3A_781 = arith.cmpf ogt, %get3A_691, %max3A_773 : vector<16xf32>
        %max3A_782 = arith.maximumf %max3A_773, %get3A_691 : vector<16xf32>
        %broadcast_in_dim3A_783 = arith.constant 20 : i32
        %broadcast_in_dim3A_784 = vector.broadcast %broadcast_in_dim3A_783 : i32 to vector<16xi32>
        %select_n3A_785 = arith.select %gt3A_781, %broadcast_in_dim3A_784, %select_n3A_774 : vector<16xi1>, vector<16xi32>
        %gt3A_786 = arith.cmpf ogt, %max3A_779, %max3A_776 : vector<16xf32>
        %max3A_787 = arith.maximumf %max3A_776, %max3A_779 : vector<16xf32>
        %select_n3A_788 = arith.select %gt3A_786, %select_n3A_780, %select_n3A_777 : vector<16xi1>, vector<16xi32>
        %gt3A_789 = arith.cmpf ogt, %max3A_782, %max3A_787 : vector<16xf32>
        %max3A_790 = arith.maximumf %max3A_787, %max3A_782 : vector<16xf32>
        %select_n3A_791 = arith.select %gt3A_789, %select_n3A_785, %select_n3A_788 : vector<16xi1>, vector<16xi32>
        %mul3A_792 = arith.constant 16 : i32
        %mul3A_793 = vector.broadcast %mul3A_792 : i32 to vector<16xi32>
        %mul3A_794 = arith.muli %select_n3A_791, %mul3A_793 : vector<16xi32>
        %add3A_795 = arith.addi %mul3A_794, %iota3A : vector<16xi32>
        tpu.vector_store_idx %arg6[%add3A_795], %max3A_790 {add = true} : memref<336xf32, #tpu.memory_space<vmem>>[vector<16xi32>], vector<16xf32>,
      }
      %scan3A_544 = arith.constant 128 : i32
    }
    %scan3A_90 = arith.constant 8 : i32
    %add3A_91 = arith.constant 16 : i32
    %add3A_92 = vector.broadcast %add3A_91 : i32 to vector<16xi32>
    %add3A_93 = arith.addi %iota3A, %add3A_92 : vector<16xi32>
    %min3A = arith.constant 20 : i32
    %min3A_94 = vector.broadcast %min3A : i32 to vector<16xi32>
    %min3A_95 = arith.minsi %add3A_93, %min3A_94 : vector<16xi32>
    %broadcast_in_dim3A_96 = arith.constant 0.000000e+00 : f32
    %broadcast_in_dim3A_97 = vector.broadcast %broadcast_in_dim3A_96 : f32 to vector<16xf32>
    %broadcast_in_dim3A_98 = arith.constant 0.000000e+00 : f32
    %broadcast_in_dim3A_99 = vector.broadcast %broadcast_in_dim3A_98 : f32 to vector<16xf32>
    %mul3A_100 = arith.constant 16 : i32
    %mul3A_101 = vector.broadcast %mul3A_100 : i32 to vector<16xi32>
    %mul3A_102 = arith.muli %iota3A, %mul3A_101 : vector<16xi32>
    %add3A_103 = arith.constant 0 : i32
    %add3A_104 = vector.broadcast %add3A_103 : i32 to vector<16xi32>
    %add3A_105 = arith.addi %mul3A_102, %add3A_104 : vector<16xi32>
    %gather3A = tpu.vector_load_idx %arg6[%add3A_105] : memref<336xf32, #tpu.memory_space<vmem>>[vector<16xi32>], vector<16xf32>,
    %add3A_106 = arith.addf %broadcast_in_dim3A_97, %gather3A : vector<16xf32>
    %mul3A_107 = arith.constant 16 : i32
    %mul3A_108 = vector.broadcast %mul3A_107 : i32 to vector<16xi32>
    %mul3A_109 = arith.muli %min3A_95, %mul3A_108 : vector<16xi32>
    %add3A_110 = arith.constant 0 : i32
    %add3A_111 = vector.broadcast %add3A_110 : i32 to vector<16xi32>
    %add3A_112 = arith.addi %mul3A_109, %add3A_111 : vector<16xi32>
    %gather3A_113 = tpu.vector_load_idx %arg6[%add3A_112] : memref<336xf32, #tpu.memory_space<vmem>>[vector<16xi32>], vector<16xf32>,
    %add3A_114 = arith.addf %broadcast_in_dim3A_99, %gather3A_113 : vector<16xf32>
    %mul3A_115 = arith.constant 16 : i32
    %mul3A_116 = vector.broadcast %mul3A_115 : i32 to vector<16xi32>
    %mul3A_117 = arith.muli %iota3A, %mul3A_116 : vector<16xi32>
    %add3A_118 = arith.constant 1 : i32
    %add3A_119 = vector.broadcast %add3A_118 : i32 to vector<16xi32>
    %add3A_120 = arith.addi %mul3A_117, %add3A_119 : vector<16xi32>
    %gather3A_121 = tpu.vector_load_idx %arg6[%add3A_120] : memref<336xf32, #tpu.memory_space<vmem>>[vector<16xi32>], vector<16xf32>,
    %add3A_122 = arith.addf %add3A_106, %gather3A_121 : vector<16xf32>
    %mul3A_123 = arith.constant 16 : i32
    %mul3A_124 = vector.broadcast %mul3A_123 : i32 to vector<16xi32>
    %mul3A_125 = arith.muli %min3A_95, %mul3A_124 : vector<16xi32>
    %add3A_126 = arith.constant 1 : i32
    %add3A_127 = vector.broadcast %add3A_126 : i32 to vector<16xi32>
    %add3A_128 = arith.addi %mul3A_125, %add3A_127 : vector<16xi32>
    %gather3A_129 = tpu.vector_load_idx %arg6[%add3A_128] : memref<336xf32, #tpu.memory_space<vmem>>[vector<16xi32>], vector<16xf32>,
    %add3A_130 = arith.addf %add3A_114, %gather3A_129 : vector<16xf32>
    %mul3A_131 = arith.constant 16 : i32
    %mul3A_132 = vector.broadcast %mul3A_131 : i32 to vector<16xi32>
    %mul3A_133 = arith.muli %iota3A, %mul3A_132 : vector<16xi32>
    %add3A_134 = arith.constant 2 : i32
    %add3A_135 = vector.broadcast %add3A_134 : i32 to vector<16xi32>
    %add3A_136 = arith.addi %mul3A_133, %add3A_135 : vector<16xi32>
    %gather3A_137 = tpu.vector_load_idx %arg6[%add3A_136] : memref<336xf32, #tpu.memory_space<vmem>>[vector<16xi32>], vector<16xf32>,
    %add3A_138 = arith.addf %add3A_122, %gather3A_137 : vector<16xf32>
    %mul3A_139 = arith.constant 16 : i32
    %mul3A_140 = vector.broadcast %mul3A_139 : i32 to vector<16xi32>
    %mul3A_141 = arith.muli %min3A_95, %mul3A_140 : vector<16xi32>
    %add3A_142 = arith.constant 2 : i32
    %add3A_143 = vector.broadcast %add3A_142 : i32 to vector<16xi32>
    %add3A_144 = arith.addi %mul3A_141, %add3A_143 : vector<16xi32>
    %gather3A_145 = tpu.vector_load_idx %arg6[%add3A_144] : memref<336xf32, #tpu.memory_space<vmem>>[vector<16xi32>], vector<16xf32>,
    %add3A_146 = arith.addf %add3A_130, %gather3A_145 : vector<16xf32>
    %mul3A_147 = arith.constant 16 : i32
    %mul3A_148 = vector.broadcast %mul3A_147 : i32 to vector<16xi32>
    %mul3A_149 = arith.muli %iota3A, %mul3A_148 : vector<16xi32>
    %add3A_150 = arith.constant 3 : i32
    %add3A_151 = vector.broadcast %add3A_150 : i32 to vector<16xi32>
    %add3A_152 = arith.addi %mul3A_149, %add3A_151 : vector<16xi32>
    %gather3A_153 = tpu.vector_load_idx %arg6[%add3A_152] : memref<336xf32, #tpu.memory_space<vmem>>[vector<16xi32>], vector<16xf32>,
    %add3A_154 = arith.addf %add3A_138, %gather3A_153 : vector<16xf32>
    %mul3A_155 = arith.constant 16 : i32
    %mul3A_156 = vector.broadcast %mul3A_155 : i32 to vector<16xi32>
    %mul3A_157 = arith.muli %min3A_95, %mul3A_156 : vector<16xi32>
    %add3A_158 = arith.constant 3 : i32
    %add3A_159 = vector.broadcast %add3A_158 : i32 to vector<16xi32>
    %add3A_160 = arith.addi %mul3A_157, %add3A_159 : vector<16xi32>
    %gather3A_161 = tpu.vector_load_idx %arg6[%add3A_160] : memref<336xf32, #tpu.memory_space<vmem>>[vector<16xi32>], vector<16xf32>,
    %add3A_162 = arith.addf %add3A_146, %gather3A_161 : vector<16xf32>
    %mul3A_163 = arith.constant 16 : i32
    %mul3A_164 = vector.broadcast %mul3A_163 : i32 to vector<16xi32>
    %mul3A_165 = arith.muli %iota3A, %mul3A_164 : vector<16xi32>
    %add3A_166 = arith.constant 4 : i32
    %add3A_167 = vector.broadcast %add3A_166 : i32 to vector<16xi32>
    %add3A_168 = arith.addi %mul3A_165, %add3A_167 : vector<16xi32>
    %gather3A_169 = tpu.vector_load_idx %arg6[%add3A_168] : memref<336xf32, #tpu.memory_space<vmem>>[vector<16xi32>], vector<16xf32>,
    %add3A_170 = arith.addf %add3A_154, %gather3A_169 : vector<16xf32>
    %mul3A_171 = arith.constant 16 : i32
    %mul3A_172 = vector.broadcast %mul3A_171 : i32 to vector<16xi32>
    %mul3A_173 = arith.muli %min3A_95, %mul3A_172 : vector<16xi32>
    %add3A_174 = arith.constant 4 : i32
    %add3A_175 = vector.broadcast %add3A_174 : i32 to vector<16xi32>
    %add3A_176 = arith.addi %mul3A_173, %add3A_175 : vector<16xi32>
    %gather3A_177 = tpu.vector_load_idx %arg6[%add3A_176] : memref<336xf32, #tpu.memory_space<vmem>>[vector<16xi32>], vector<16xf32>,
    %add3A_178 = arith.addf %add3A_162, %gather3A_177 : vector<16xf32>
    %mul3A_179 = arith.constant 16 : i32
    %mul3A_180 = vector.broadcast %mul3A_179 : i32 to vector<16xi32>
    %mul3A_181 = arith.muli %iota3A, %mul3A_180 : vector<16xi32>
    %add3A_182 = arith.constant 5 : i32
    %add3A_183 = vector.broadcast %add3A_182 : i32 to vector<16xi32>
    %add3A_184 = arith.addi %mul3A_181, %add3A_183 : vector<16xi32>
    %gather3A_185 = tpu.vector_load_idx %arg6[%add3A_184] : memref<336xf32, #tpu.memory_space<vmem>>[vector<16xi32>], vector<16xf32>,
    %add3A_186 = arith.addf %add3A_170, %gather3A_185 : vector<16xf32>
    %mul3A_187 = arith.constant 16 : i32
    %mul3A_188 = vector.broadcast %mul3A_187 : i32 to vector<16xi32>
    %mul3A_189 = arith.muli %min3A_95, %mul3A_188 : vector<16xi32>
    %add3A_190 = arith.constant 5 : i32
    %add3A_191 = vector.broadcast %add3A_190 : i32 to vector<16xi32>
    %add3A_192 = arith.addi %mul3A_189, %add3A_191 : vector<16xi32>
    %gather3A_193 = tpu.vector_load_idx %arg6[%add3A_192] : memref<336xf32, #tpu.memory_space<vmem>>[vector<16xi32>], vector<16xf32>,
    %add3A_194 = arith.addf %add3A_178, %gather3A_193 : vector<16xf32>
    %mul3A_195 = arith.constant 16 : i32
    %mul3A_196 = vector.broadcast %mul3A_195 : i32 to vector<16xi32>
    %mul3A_197 = arith.muli %iota3A, %mul3A_196 : vector<16xi32>
    %add3A_198 = arith.constant 6 : i32
    %add3A_199 = vector.broadcast %add3A_198 : i32 to vector<16xi32>
    %add3A_200 = arith.addi %mul3A_197, %add3A_199 : vector<16xi32>
    %gather3A_201 = tpu.vector_load_idx %arg6[%add3A_200] : memref<336xf32, #tpu.memory_space<vmem>>[vector<16xi32>], vector<16xf32>,
    %add3A_202 = arith.addf %add3A_186, %gather3A_201 : vector<16xf32>
    %mul3A_203 = arith.constant 16 : i32
    %mul3A_204 = vector.broadcast %mul3A_203 : i32 to vector<16xi32>
    %mul3A_205 = arith.muli %min3A_95, %mul3A_204 : vector<16xi32>
    %add3A_206 = arith.constant 6 : i32
    %add3A_207 = vector.broadcast %add3A_206 : i32 to vector<16xi32>
    %add3A_208 = arith.addi %mul3A_205, %add3A_207 : vector<16xi32>
    %gather3A_209 = tpu.vector_load_idx %arg6[%add3A_208] : memref<336xf32, #tpu.memory_space<vmem>>[vector<16xi32>], vector<16xf32>,
    %add3A_210 = arith.addf %add3A_194, %gather3A_209 : vector<16xf32>
    %mul3A_211 = arith.constant 16 : i32
    %mul3A_212 = vector.broadcast %mul3A_211 : i32 to vector<16xi32>
    %mul3A_213 = arith.muli %iota3A, %mul3A_212 : vector<16xi32>
    %add3A_214 = arith.constant 7 : i32
    %add3A_215 = vector.broadcast %add3A_214 : i32 to vector<16xi32>
    %add3A_216 = arith.addi %mul3A_213, %add3A_215 : vector<16xi32>
    %gather3A_217 = tpu.vector_load_idx %arg6[%add3A_216] : memref<336xf32, #tpu.memory_space<vmem>>[vector<16xi32>], vector<16xf32>,
    %add3A_218 = arith.addf %add3A_202, %gather3A_217 : vector<16xf32>
    %mul3A_219 = arith.constant 16 : i32
    %mul3A_220 = vector.broadcast %mul3A_219 : i32 to vector<16xi32>
    %mul3A_221 = arith.muli %min3A_95, %mul3A_220 : vector<16xi32>
    %add3A_222 = arith.constant 7 : i32
    %add3A_223 = vector.broadcast %add3A_222 : i32 to vector<16xi32>
    %add3A_224 = arith.addi %mul3A_221, %add3A_223 : vector<16xi32>
    %gather3A_225 = tpu.vector_load_idx %arg6[%add3A_224] : memref<336xf32, #tpu.memory_space<vmem>>[vector<16xi32>], vector<16xf32>,
    %add3A_226 = arith.addf %add3A_210, %gather3A_225 : vector<16xf32>
    %mul3A_227 = arith.constant 16 : i32
    %mul3A_228 = vector.broadcast %mul3A_227 : i32 to vector<16xi32>
    %mul3A_229 = arith.muli %iota3A, %mul3A_228 : vector<16xi32>
    %add3A_230 = arith.constant 8 : i32
    %add3A_231 = vector.broadcast %add3A_230 : i32 to vector<16xi32>
    %add3A_232 = arith.addi %mul3A_229, %add3A_231 : vector<16xi32>
    %gather3A_233 = tpu.vector_load_idx %arg6[%add3A_232] : memref<336xf32, #tpu.memory_space<vmem>>[vector<16xi32>], vector<16xf32>,
    %add3A_234 = arith.addf %add3A_218, %gather3A_233 : vector<16xf32>
    %mul3A_235 = arith.constant 16 : i32
    %mul3A_236 = vector.broadcast %mul3A_235 : i32 to vector<16xi32>
    %mul3A_237 = arith.muli %min3A_95, %mul3A_236 : vector<16xi32>
    %add3A_238 = arith.constant 8 : i32
    %add3A_239 = vector.broadcast %add3A_238 : i32 to vector<16xi32>
    %add3A_240 = arith.addi %mul3A_237, %add3A_239 : vector<16xi32>
    %gather3A_241 = tpu.vector_load_idx %arg6[%add3A_240] : memref<336xf32, #tpu.memory_space<vmem>>[vector<16xi32>], vector<16xf32>,
    %add3A_242 = arith.addf %add3A_226, %gather3A_241 : vector<16xf32>
    %mul3A_243 = arith.constant 16 : i32
    %mul3A_244 = vector.broadcast %mul3A_243 : i32 to vector<16xi32>
    %mul3A_245 = arith.muli %iota3A, %mul3A_244 : vector<16xi32>
    %add3A_246 = arith.constant 9 : i32
    %add3A_247 = vector.broadcast %add3A_246 : i32 to vector<16xi32>
    %add3A_248 = arith.addi %mul3A_245, %add3A_247 : vector<16xi32>
    %gather3A_249 = tpu.vector_load_idx %arg6[%add3A_248] : memref<336xf32, #tpu.memory_space<vmem>>[vector<16xi32>], vector<16xf32>,
    %add3A_250 = arith.addf %add3A_234, %gather3A_249 : vector<16xf32>
    %mul3A_251 = arith.constant 16 : i32
    %mul3A_252 = vector.broadcast %mul3A_251 : i32 to vector<16xi32>
    %mul3A_253 = arith.muli %min3A_95, %mul3A_252 : vector<16xi32>
    %add3A_254 = arith.constant 9 : i32
    %add3A_255 = vector.broadcast %add3A_254 : i32 to vector<16xi32>
    %add3A_256 = arith.addi %mul3A_253, %add3A_255 : vector<16xi32>
    %gather3A_257 = tpu.vector_load_idx %arg6[%add3A_256] : memref<336xf32, #tpu.memory_space<vmem>>[vector<16xi32>], vector<16xf32>,
    %add3A_258 = arith.addf %add3A_242, %gather3A_257 : vector<16xf32>
    %mul3A_259 = arith.constant 16 : i32
    %mul3A_260 = vector.broadcast %mul3A_259 : i32 to vector<16xi32>
    %mul3A_261 = arith.muli %iota3A, %mul3A_260 : vector<16xi32>
    %add3A_262 = arith.constant 10 : i32
    %add3A_263 = vector.broadcast %add3A_262 : i32 to vector<16xi32>
    %add3A_264 = arith.addi %mul3A_261, %add3A_263 : vector<16xi32>
    %gather3A_265 = tpu.vector_load_idx %arg6[%add3A_264] : memref<336xf32, #tpu.memory_space<vmem>>[vector<16xi32>], vector<16xf32>,
    %add3A_266 = arith.addf %add3A_250, %gather3A_265 : vector<16xf32>
    %mul3A_267 = arith.constant 16 : i32
    %mul3A_268 = vector.broadcast %mul3A_267 : i32 to vector<16xi32>
    %mul3A_269 = arith.muli %min3A_95, %mul3A_268 : vector<16xi32>
    %add3A_270 = arith.constant 10 : i32
    %add3A_271 = vector.broadcast %add3A_270 : i32 to vector<16xi32>
    %add3A_272 = arith.addi %mul3A_269, %add3A_271 : vector<16xi32>
    %gather3A_273 = tpu.vector_load_idx %arg6[%add3A_272] : memref<336xf32, #tpu.memory_space<vmem>>[vector<16xi32>], vector<16xf32>,
    %add3A_274 = arith.addf %add3A_258, %gather3A_273 : vector<16xf32>
    %mul3A_275 = arith.constant 16 : i32
    %mul3A_276 = vector.broadcast %mul3A_275 : i32 to vector<16xi32>
    %mul3A_277 = arith.muli %iota3A, %mul3A_276 : vector<16xi32>
    %add3A_278 = arith.constant 11 : i32
    %add3A_279 = vector.broadcast %add3A_278 : i32 to vector<16xi32>
    %add3A_280 = arith.addi %mul3A_277, %add3A_279 : vector<16xi32>
    %gather3A_281 = tpu.vector_load_idx %arg6[%add3A_280] : memref<336xf32, #tpu.memory_space<vmem>>[vector<16xi32>], vector<16xf32>,
    %add3A_282 = arith.addf %add3A_266, %gather3A_281 : vector<16xf32>
    %mul3A_283 = arith.constant 16 : i32
    %mul3A_284 = vector.broadcast %mul3A_283 : i32 to vector<16xi32>
    %mul3A_285 = arith.muli %min3A_95, %mul3A_284 : vector<16xi32>
    %add3A_286 = arith.constant 11 : i32
    %add3A_287 = vector.broadcast %add3A_286 : i32 to vector<16xi32>
    %add3A_288 = arith.addi %mul3A_285, %add3A_287 : vector<16xi32>
    %gather3A_289 = tpu.vector_load_idx %arg6[%add3A_288] : memref<336xf32, #tpu.memory_space<vmem>>[vector<16xi32>], vector<16xf32>,
    %add3A_290 = arith.addf %add3A_274, %gather3A_289 : vector<16xf32>
    %mul3A_291 = arith.constant 16 : i32
    %mul3A_292 = vector.broadcast %mul3A_291 : i32 to vector<16xi32>
    %mul3A_293 = arith.muli %iota3A, %mul3A_292 : vector<16xi32>
    %add3A_294 = arith.constant 12 : i32
    %add3A_295 = vector.broadcast %add3A_294 : i32 to vector<16xi32>
    %add3A_296 = arith.addi %mul3A_293, %add3A_295 : vector<16xi32>
    %gather3A_297 = tpu.vector_load_idx %arg6[%add3A_296] : memref<336xf32, #tpu.memory_space<vmem>>[vector<16xi32>], vector<16xf32>,
    %add3A_298 = arith.addf %add3A_282, %gather3A_297 : vector<16xf32>
    %mul3A_299 = arith.constant 16 : i32
    %mul3A_300 = vector.broadcast %mul3A_299 : i32 to vector<16xi32>
    %mul3A_301 = arith.muli %min3A_95, %mul3A_300 : vector<16xi32>
    %add3A_302 = arith.constant 12 : i32
    %add3A_303 = vector.broadcast %add3A_302 : i32 to vector<16xi32>
    %add3A_304 = arith.addi %mul3A_301, %add3A_303 : vector<16xi32>
    %gather3A_305 = tpu.vector_load_idx %arg6[%add3A_304] : memref<336xf32, #tpu.memory_space<vmem>>[vector<16xi32>], vector<16xf32>,
    %add3A_306 = arith.addf %add3A_290, %gather3A_305 : vector<16xf32>
    %mul3A_307 = arith.constant 16 : i32
    %mul3A_308 = vector.broadcast %mul3A_307 : i32 to vector<16xi32>
    %mul3A_309 = arith.muli %iota3A, %mul3A_308 : vector<16xi32>
    %add3A_310 = arith.constant 13 : i32
    %add3A_311 = vector.broadcast %add3A_310 : i32 to vector<16xi32>
    %add3A_312 = arith.addi %mul3A_309, %add3A_311 : vector<16xi32>
    %gather3A_313 = tpu.vector_load_idx %arg6[%add3A_312] : memref<336xf32, #tpu.memory_space<vmem>>[vector<16xi32>], vector<16xf32>,
    %add3A_314 = arith.addf %add3A_298, %gather3A_313 : vector<16xf32>
    %mul3A_315 = arith.constant 16 : i32
    %mul3A_316 = vector.broadcast %mul3A_315 : i32 to vector<16xi32>
    %mul3A_317 = arith.muli %min3A_95, %mul3A_316 : vector<16xi32>
    %add3A_318 = arith.constant 13 : i32
    %add3A_319 = vector.broadcast %add3A_318 : i32 to vector<16xi32>
    %add3A_320 = arith.addi %mul3A_317, %add3A_319 : vector<16xi32>
    %gather3A_321 = tpu.vector_load_idx %arg6[%add3A_320] : memref<336xf32, #tpu.memory_space<vmem>>[vector<16xi32>], vector<16xf32>,
    %add3A_322 = arith.addf %add3A_306, %gather3A_321 : vector<16xf32>
    %mul3A_323 = arith.constant 16 : i32
    %mul3A_324 = vector.broadcast %mul3A_323 : i32 to vector<16xi32>
    %mul3A_325 = arith.muli %iota3A, %mul3A_324 : vector<16xi32>
    %add3A_326 = arith.constant 14 : i32
    %add3A_327 = vector.broadcast %add3A_326 : i32 to vector<16xi32>
    %add3A_328 = arith.addi %mul3A_325, %add3A_327 : vector<16xi32>
    %gather3A_329 = tpu.vector_load_idx %arg6[%add3A_328] : memref<336xf32, #tpu.memory_space<vmem>>[vector<16xi32>], vector<16xf32>,
    %add3A_330 = arith.addf %add3A_314, %gather3A_329 : vector<16xf32>
    %mul3A_331 = arith.constant 16 : i32
    %mul3A_332 = vector.broadcast %mul3A_331 : i32 to vector<16xi32>
    %mul3A_333 = arith.muli %min3A_95, %mul3A_332 : vector<16xi32>
    %add3A_334 = arith.constant 14 : i32
    %add3A_335 = vector.broadcast %add3A_334 : i32 to vector<16xi32>
    %add3A_336 = arith.addi %mul3A_333, %add3A_335 : vector<16xi32>
    %gather3A_337 = tpu.vector_load_idx %arg6[%add3A_336] : memref<336xf32, #tpu.memory_space<vmem>>[vector<16xi32>], vector<16xf32>,
    %add3A_338 = arith.addf %add3A_322, %gather3A_337 : vector<16xf32>
    %mul3A_339 = arith.constant 16 : i32
    %mul3A_340 = vector.broadcast %mul3A_339 : i32 to vector<16xi32>
    %mul3A_341 = arith.muli %iota3A, %mul3A_340 : vector<16xi32>
    %add3A_342 = arith.constant 15 : i32
    %add3A_343 = vector.broadcast %add3A_342 : i32 to vector<16xi32>
    %add3A_344 = arith.addi %mul3A_341, %add3A_343 : vector<16xi32>
    %gather3A_345 = tpu.vector_load_idx %arg6[%add3A_344] : memref<336xf32, #tpu.memory_space<vmem>>[vector<16xi32>], vector<16xf32>,
    %add3A_346 = arith.addf %add3A_330, %gather3A_345 : vector<16xf32>
    %mul3A_347 = arith.constant 16 : i32
    %mul3A_348 = vector.broadcast %mul3A_347 : i32 to vector<16xi32>
    %mul3A_349 = arith.muli %min3A_95, %mul3A_348 : vector<16xi32>
    %add3A_350 = arith.constant 15 : i32
    %add3A_351 = vector.broadcast %add3A_350 : i32 to vector<16xi32>
    %add3A_352 = arith.addi %mul3A_349, %add3A_351 : vector<16xi32>
    %gather3A_353 = tpu.vector_load_idx %arg6[%add3A_352] : memref<336xf32, #tpu.memory_space<vmem>>[vector<16xi32>], vector<16xf32>,
    %add3A_354 = arith.addf %add3A_338, %gather3A_353 : vector<16xf32>
    %lt3A_355 = arith.constant 5 : i32
    %lt3A_356 = vector.broadcast %lt3A_355 : i32 to vector<16xi32>
    %lt3A_357 = arith.cmpi slt, %iota3A, %lt3A_356 : vector<16xi32>
    %jit3A_358 = arith.constant 0.000000e+00 : f32
    %broadcast_in_dim3A_359 = vector.broadcast %jit3A_358 : f32 to vector<16xf32>
    %select_n3A_360 = arith.select %lt3A_357, %add3A_354, %broadcast_in_dim3A_359 : vector<16xi1>, vector<16xf32>
    %swap3A_361 = arith.constant 0 : index
    %swap3A_362 = tpu.vector_load %arg7[%swap3A_361] {strides = array<i32>} : memref<32xf32, #tpu.memory_space<vmem>>, vector<16xf32>,
    tpu.vector_store %arg7[%swap3A_361], %add3A_346 {strides = array<i32>} : memref<32xf32, #tpu.memory_space<vmem>>, vector<16xf32>,
    %swap3A_363 = arith.constant 16 : index
    %swap3A_364 = tpu.vector_load %arg7[%swap3A_363] {strides = array<i32>} : memref<32xf32, #tpu.memory_space<vmem>>, vector<16xf32>,
    tpu.vector_store %arg7[%swap3A_363], %select_n3A_360 {strides = array<i32>} : memref<32xf32, #tpu.memory_space<vmem>>, vector<16xf32>,
    %mul3A_365 = arith.constant 2 : i32
    %mul3A_366 = arith.muli %add3A, %mul3A_365 : i32
    %mul3A_367 = arith.constant 16 : i32
    %mul3A_368 = arith.muli %mul3A_366, %mul3A_367 : i32
    "tpu.region"() ({
      %run_scoped3A = tpu.sem_alloc : memref<!tpu.dma_semaphore, #tpu.memory_space<semaphore_mem>>
      %dma_start3A_369 = tpu.memref_slice %arg3[%mul3A_368] : memref<1024xf32, #tpu.memory_space<hbm>> -> memref<32xf32, #tpu.memory_space<hbm>>
      %dma_start3A_370 = tpu.memref_slice %arg3[%mul3A_368] : memref<1024xf32, #tpu.memory_space<hbm>> -> memref<32xf32, #tpu.memory_space<hbm>>
      tpu.enqueue_dma source(%arg7 : memref<32xf32, #tpu.memory_space<vmem>>) target(%dma_start3A_370 : memref<32xf32, #tpu.memory_space<hbm>>) target_semaphore(%run_scoped3A : memref<!tpu.dma_semaphore, #tpu.memory_space<semaphore_mem>>)
      %dma_wait3A = tpu.memref_slice %arg3[%mul3A_368] : memref<1024xf32, #tpu.memory_space<hbm>> -> memref<32xf32, #tpu.memory_space<hbm>>
      %dma_wait3A_371 = tpu.memref_slice %arg3[%mul3A_368] : memref<1024xf32, #tpu.memory_space<hbm>> -> memref<32xf32, #tpu.memory_space<hbm>>
      tpu.wait_dma2 semaphore(%run_scoped3A : memref<!tpu.dma_semaphore, #tpu.memory_space<semaphore_mem>>) src(%arg7 : memref<32xf32, #tpu.memory_space<vmem>>) dst(%dma_wait3A_371 : memref<32xf32, #tpu.memory_space<hbm>>)
      tpu.yield
    }) : () -> ()
    return
  }
}

module attributes {stable_mosaic.version = 14 : i64} {
  func.func @_tc_body(%arg0: i32, %arg1: i32, %arg2: memref<1x21x64x512xf32, #tpu.memory_space<vmem>>, %arg3: memref<1x1x21xf32, #tpu.memory_space<vmem>>) attributes {dimension_semantics = [#tpu.dimension_semantics<arbitrary>, #tpu.dimension_semantics<arbitrary>], iteration_bounds = array<i64: 8, 4>, scalar_prefetch = 0 : i64, scratch_operands = 0 : i64, tpu.core_type = #tpu.core_type<tc>, window_params = [{transform_indices = @transform_0, window_bounds = array<i64: 1, 21, 64, 512>}, {transform_indices = @transform_1, window_bounds = array<i64: 1, 1, 21>}]} {
    %get3A = arith.constant 0 : index
    %get3A_0 = arith.constant 0 : index
    %get3A_1 = arith.constant 0 : index
    %get3A_2 = arith.constant 0 : index
    %get3A_3 = vector.load %arg2[%get3A, %get3A_0, %get3A_1, %get3A_2] : memref<1x21x64x512xf32, #tpu.memory_space<vmem>>, vector<1x21x64x512xf32>
    %get3A_4 = vector.shape_cast %get3A_3 : vector<1x21x64x512xf32> to vector<21x64x512xf32>
    %reduce_max3A = arith.constant dense<0xFF800000> : vector<64x512xf32>
    %reduce_max3A_5 = vector.multi_reduction <maximumf>, %get3A_4, %reduce_max3A [0] : vector<21x64x512xf32> to vector<64x512xf32>
    %iota3A = tpu.iota {dimensions = array<i32: 0>} : vector<21x64x512xi32>
    %broadcast_in_dim3A = vector.shape_cast %reduce_max3A_5 : vector<64x512xf32> to vector<1x64x512xf32>
    %eq3A = vector.broadcast %broadcast_in_dim3A : vector<1x64x512xf32> to vector<21x64x512xf32>
    %eq3A_6 = arith.cmpf oeq, %get3A_4, %eq3A : vector<21x64x512xf32>
    %jit3A = arith.constant 21 : i32
    %broadcast_in_dim3A_7 = vector.broadcast %jit3A : i32 to vector<21x64x512xi32>
    %select_n3A = arith.select %eq3A_6, %iota3A, %broadcast_in_dim3A_7 : vector<21x64x512xi1>, vector<21x64x512xi32>
    %reduce_min3A = arith.constant dense<2147483647> : vector<64x512xi32>
    %reduce_min3A_8 = vector.multi_reduction <minsi>, %select_n3A, %reduce_min3A [0] : vector<21x64x512xi32> to vector<64x512xi32>
    %broadcast_in_dim3A_9 = vector.shape_cast %reduce_min3A_8 : vector<64x512xi32> to vector<1x64x512xi32>
    %eq3A_10 = vector.broadcast %broadcast_in_dim3A_9 : vector<1x64x512xi32> to vector<21x64x512xi32>
    %eq3A_11 = arith.cmpi eq, %iota3A, %eq3A_10 : vector<21x64x512xi32>
    %jit3A_12 = arith.constant 0.000000e+00 : f32
    %broadcast_in_dim3A_13 = vector.broadcast %jit3A_12 : f32 to vector<21x64x512xf32>
    %select_n3A_14 = arith.select %eq3A_11, %get3A_4, %broadcast_in_dim3A_13 : vector<21x64x512xi1>, vector<21x64x512xf32>
    %reduce_sum3A = arith.constant dense<0.000000e+00> : vector<21xf32>
    %reduce_sum3A_15 = vector.multi_reduction <add>, %select_n3A_14, %reduce_sum3A [1, 2] : vector<21x64x512xf32> to vector<21xf32>
    %eq3A_16 = arith.constant 0 : i32
    %eq3A_17 = arith.cmpi eq, %arg1, %eq3A_16 : i32
    %convert_element_type3A = arith.extui %eq3A_17 : i1 to i32
    %cond3A = arith.constant 0 : i32
    %cond3A_18 = arith.cmpi ne, %convert_element_type3A, %cond3A : i32
    scf.if %cond3A_18 {
      %broadcast_in_dim3A_29 = arith.constant 0.000000e+00 : f32
      %broadcast_in_dim3A_30 = vector.broadcast %broadcast_in_dim3A_29 : f32 to vector<1x1x21xf32>
      %swap3A_31 = arith.constant 0 : index
      %swap3A_32 = arith.constant 0 : index
      %swap3A_33 = arith.constant 0 : index
      %swap3A_34 = vector.load %arg3[%swap3A_31, %swap3A_32, %swap3A_33] : memref<1x1x21xf32, #tpu.memory_space<vmem>>, vector<1x1x21xf32>
      tpu.vector_store %arg3[%swap3A_31, %swap3A_32, %swap3A_33], %broadcast_in_dim3A_30 {strides = array<i32>} : memref<1x1x21xf32, #tpu.memory_space<vmem>>, vector<1x1x21xf32>,
    } else {
    }
    %get3A_19 = arith.constant 0 : index
    %get3A_20 = arith.constant 0 : index
    %get3A_21 = arith.constant 0 : index
    %get3A_22 = vector.load %arg3[%get3A_19, %get3A_20, %get3A_21] : memref<1x1x21xf32, #tpu.memory_space<vmem>>, vector<1x1x21xf32>
    %get3A_23 = vector.shape_cast %get3A_22 : vector<1x1x21xf32> to vector<21xf32>
    %add3A = arith.addf %get3A_23, %reduce_sum3A_15 : vector<21xf32>
    %swap3A = arith.constant 0 : index
    %swap3A_24 = arith.constant 0 : index
    %swap3A_25 = arith.constant 0 : index
    %swap3A_26 = vector.load %arg3[%swap3A, %swap3A_24, %swap3A_25] : memref<1x1x21xf32, #tpu.memory_space<vmem>>, vector<1x1x21xf32>
    %swap3A_27 = vector.shape_cast %swap3A_26 : vector<1x1x21xf32> to vector<21xf32>
    %swap3A_28 = vector.shape_cast %add3A : vector<21xf32> to vector<1x1x21xf32>
    tpu.vector_store %arg3[%swap3A, %swap3A_24, %swap3A_25], %swap3A_28 {strides = array<i32>} : memref<1x1x21xf32, #tpu.memory_space<vmem>>, vector<1x1x21xf32>,
    return
  }
  func.func @transform_0(%arg0: i32, %arg1: i32) -> (i32, i32, i32, i32) {
    %c0_i32 = arith.constant 0 : i32
    %c0_i32_0 = arith.constant 0 : i32
    %c0_i32_1 = arith.constant 0 : i32
    return %arg0, %c0_i32, %arg1, %c0_i32_0 : i32, i32, i32, i32
  }
  func.func @transform_1(%arg0: i32, %arg1: i32) -> (i32, i32, i32) {
    %c0_i32 = arith.constant 0 : i32
    %c0_i32_0 = arith.constant 0 : i32
    %c0_i32_1 = arith.constant 0 : i32
    return %arg0, %c0_i32, %c0_i32_0 : i32, i32, i32
  }
}

</mosaic_0001>

<sc_bundles>
// kernel: kernel.4.cloned.1.call-start
scs
__scs_entry_jumppad:
0x0: {  	(pc) =	sbr.rel $0x88, $3  }
0x1: {  	(tag) =	ssettag $0x0;
	lr =	simm.s32 $0x1  }
0x2: {  	[smem:$0x3FA0] =	sst lr;
	_ =	strace $0xD0000000  }
0x3: {  	_ = 	snop  }
0x4: {  	_ = 	snop  }
0x5: {  	_ = 	snop  }
0x6: {  	_ = 	snop  }
0x7: {  	_ = 	snop  }
__scs_overlays_trampoline_lowered:
0x8: {  	[smem:$0x3FAF] =	sst s0  }
0x9: {  	[smem:$0x3FB0] =	sst s1  }
0xa: {  	[smem:$0x3FB1] =	sst s2  }
0xb: {  	[smem:$0x3FB2] =	sst s3  }
0xc: {  	[smem:$0x3FB3] =	sst s4  }
0xd: {  	[smem:$0x3FB4] =	sst s5  }
0xe: {  	[smem:$0x3FB5] =	sst s6  }
0xf: {  	[smem:$0x3FB6] =	sst s7  }
0x10: {  	[smem:$0x3FB7] =	sst s8  }
0x11: {  	[smem:$0x3FB8] =	sst s9;
	s0 =	simm.s32 @!p0 $0x0  }
0x12: {  	s1 =	sld [smem:$0x3F9E];
	s0 =	simm.s32 @p0 $0x1  }
0x13: {  	[smem:$0x3FB9] =	sst s0;
	s0 =	simm.s32 @!p1 $0x0  }
0x14: {  	s2 =	sld [smem:$0x3F9D];
	s0 =	simm.s32 @p1 $0x1  }
0x15: {  	[smem:$0x3FBA] =	sst s0;
	s0 =	simm.s32 @!p2 $0x0  }
0x16: {  	s3 =	sld [smem:$0x3FDB];
	s0 =	simm.s32 @p2 $0x1  }
0x17: {  	s4 =	simm.s32 $0x1BF5;
	[smem:$0x3FBC] =	sst s0  }
0x18: {  	s0 =	sld [smem:$0x3F9F];
	_ =	swait.ge [sflag:s4], $0x0  }
0x19: {  	s7 =	sld [smem:$0x3FA0]  }
0x1a: {  	s8 =	sadd.s32 $0xFFFFE003, lr  }
0x1b: {  	s9 =	sadd.s32 $0xFFFFFEF7, lr;
	s5 =	simm.s32 $0xFFFFFFFF;
	p2 =	slt.u32 s8, $0xFFFFF086  }
0x1c: {  	p1 =	slt.u32 s9, $0xF7A;
	s5 =	simm.s32 @!p2 $0x0  }
0x1d: {  	s5 =	simm.s32 @p1 $0x1;
	p0 =	seq.s32 s7, s2  }
0x1e: {  	s7 =	smul.u32 @!p0 $0xF7A, s2;
	p2 =	seq.s32 @!p0 s5, $0x0  }
0x1f: {  	s9 =	smul.u32 $0xF7A, s1;
	s8 =	simm.s32 @!p0 $0x1BF5;
	p2 =	por !p2, p0  }
0x20: {  	[sflag:s8] =	ssyncset.s32 @!p0 $0xFFFFF086;
	s6 =	sadd.s32 @!p0 s3, s7;
	s7 =	simm.s32 @!p0 $0x108  }
0x21: {  	s3 =	sadd.s32 s3, s9;
	s6 =	sadd.s32 @!p0 $0x88, s6;
	s7 =	simm.s32 @p2 $0x1082  }
0x22: {  	[simem:s7], [sflag:s8] =	dma.local @!p0 [hbm:s6], $0xF7A  }
0x23: {  	s9 =	sor.u32 $0xD0000000, s2;
	s6 =	simm.s32 $0x108;
	_ =	swait.ge @!p0 [sflag:s8], $0x0  }
0x24: {  	s3 =	sadd.s32 $0x88, s3;
	s6 =	simm.s32 @!p1 $0x1082;
	[sflag:s4] =	ssyncset.s32 $0xFFFFF086  }
0x25: {  	[simem:s6], [sflag:s4] =	dma.local [hbm:s3], $0xF7A  }
0x26: {  	[smem:$0x3FA0] =	sst s1;
	(tag) =	ssettag s2;
	_ =	strace s9  }
0x27: {  	s1 =	sld [smem:$0x3FB0]  }
0x28: {  	s2 =	sld [smem:$0x3FB1]  }
0x29: {  	s4 =	sld [smem:$0x3FB3]  }
0x2a: {  	p0 =	seq.s32 s5, $0x0;
	s5 =	sld [smem:$0x3FB4]  }
0x2b: {  	s6 =	sld [smem:$0x3FB5]  }
0x2c: {  	s7 =	sld [smem:$0x3FB6]  }
0x2d: {  	s3 =	simm.s32 $0x108;
	s8 =	sld [smem:$0x3FB7]  }
0x2e: {  	s3 =	simm.s32 @!p0 $0x1082;
	s9 =	sld [smem:$0x3FB8]  }
0x2f: {  	lr =	sadd.s32 s0, s3;
	s0 =	sld [smem:$0x3FAF]  }
0x30: {  	s3 =	sld [smem:$0x3FB2]  }
0x31: {  	[smem:$0x3FBB] =	sst s10  }
0x32: {  	s10 =	sld [smem:$0x3FB9];
	_ =	sdelay $0x3  }
0x33: {  	p0 =	seq.s32 s10, $0x1;
	s10 =	sld [smem:$0x3FBB];
	_ =	sdelay $0x3  }
0x34: {  	[smem:$0x3FBB] =	sst s10  }
0x35: {  	s10 =	sld [smem:$0x3FBA];
	_ =	sdelay $0x3  }
0x36: {  	p1 =	seq.s32 s10, $0x1;
	s10 =	sld [smem:$0x3FBB];
	_ =	sdelay $0x3  }
0x37: {  	[smem:$0x3FBB] =	sst s10  }
0x38: {  	s10 =	sld [smem:$0x3FBC]  }
0x39: {  	_ = 	snop;
	(pc) =	sbr.ind lr, $3  }
0x3a: {  	_ = 	snop  }
0x3b: {  	_ = 	snop  }
0x3c: {  	p2 =	seq.s32 s10, $0x1;
	s10 =	sld [smem:$0x3FBB]  }
0x3d: {  	_ =	shalt  }
0x3e: {  	_ =	shalt  }
0x3f: {  	_ =	shalt  }
0x40: {  	_ =	shalt  }
0x41: {  	_ =	shalt  }
0x42: {  	_ =	shalt  }
0x43: {  	_ =	shalt  }
0x44: {  	_ =	shalt  }
0x45: {  	_ =	shalt  }
0x46: {  	_ =	shalt  }
0x47: {  	_ =	shalt  }
0x48: {  	_ =	shalt  }
0x49: {  	_ =	shalt  }
0x4a: {  	_ =	shalt  }
0x4b: {  	_ =	shalt  }
0x4c: {  	_ =	shalt  }
0x4d: {  	_ =	shalt  }
0x4e: {  	_ =	shalt  }
0x4f: {  	_ =	shalt  }
0x50: {  	_ =	shalt  }
0x51: {  	_ =	shalt  }
0x52: {  	_ =	shalt  }
0x53: {  	_ =	shalt  }
0x54: {  	_ =	shalt  }
0x55: {  	_ =	shalt  }
0x56: {  	_ =	shalt  }
0x57: {  	_ =	shalt  }
0x58: {  	_ =	shalt  }
0x59: {  	_ =	shalt  }
0x5a: {  	_ =	shalt  }
0x5b: {  	_ =	shalt  }
0x5c: {  	_ =	shalt  }
0x5d: {  	_ =	shalt  }
0x5e: {  	_ =	shalt  }
0x5f: {  	_ =	shalt  }
0x60: {  	_ =	shalt  }
0x61: {  	_ =	shalt  }
0x62: {  	_ =	shalt  }
0x63: {  	_ =	shalt  }
0x64: {  	_ =	shalt  }
0x65: {  	_ =	shalt  }
0x66: {  	_ =	shalt  }
0x67: {  	_ =	shalt  }
0x68: {  	_ =	shalt  }
0x69: {  	_ =	shalt  }
0x6a: {  	_ =	shalt  }
0x6b: {  	_ =	shalt  }
0x6c: {  	_ =	shalt  }
0x6d: {  	_ =	shalt  }
0x6e: {  	_ =	shalt  }
0x6f: {  	_ =	shalt  }
0x70: {  	_ =	shalt  }
0x71: {  	_ =	shalt  }
0x72: {  	_ =	shalt  }
0x73: {  	_ =	shalt  }
0x74: {  	_ =	shalt  }
0x75: {  	_ =	shalt  }
0x76: {  	_ =	shalt  }
0x77: {  	_ =	shalt  }
0x78: {  	_ =	shalt  }
0x79: {  	_ =	shalt  }
0x7a: {  	_ =	shalt  }
0x7b: {  	_ =	shalt  }
0x7c: {  	_ =	shalt  }
0x7d: {  	_ =	shalt  }
0x7e: {  	_ =	shalt  }
0x7f: {  	_ =	shalt  }
0x80: {  	_ =	shalt  }
0x81: {  	_ =	shalt  }
0x82: {  	_ =	shalt  }
0x83: {  	_ =	shalt  }
0x84: {  	_ =	shalt  }
0x85: {  	_ =	shalt  }
0x86: {  	_ =	shalt  }
0x87: {  	_ =	shalt  }
.Lfunc_end0:
.L_simem_size_0:
called_computation_lowered:
.L_overlay_start_0:
0x88: {  	s2 =	sld [smem:$0x3FD9]  }
0x89: {  	s3 =	sld [smem:$0x3FFE];
	_ =	sdelay $0x1  }
0x8a: {  	s1 =	srdreg.scid  }
0x8b: {  	s0 =	sand.u32 $0x1, s1  }
0x8c: {  	s18 =	sshll.u32 s0, $0xA;
	s2 =	sadd.s32 s3, s2  }
0x8d: {  	s2 =	sadd.s32 s2, s18  }
0x8e: {  	[smem:$0x3FC7] =	sst s2  }
0x8f: {  	_ = 	snop  }
0x90: {  	s2 =	sld [smem:$0x3FC9]  }
0x91: {  	s19 =	sld [smem:$0x3FD0];
	(tm) =	ssettm $0x1  }
0x92: {  	s4 =	sld [smem:$0x3FFB];
	_ =	sdelay $0x3  }
0x93: {  	_ =	strace s4  }
0x94: {  	s4 =	sld [smem:$0x3FFC];
	_ =	sdelay $0x3  }
0x95: {  	_ =	strace s4  }
0x96: {  	s4 =	sld [smem:$0x3FFD];
	_ =	sdelay $0x3  }
0x97: {  	_ =	strace s4  }
0x98: {  	_ =	strace $0x8FFFFFFF  }
0x99: {  	s20 =	sld [smem:$0x3FDB];
	_ =	sdelay $0x1  }
0x9a: {  	s5 =	simm.s32 $_scs_section_size  }
0x9b: {  	s6 =	simm.s32 $_size__tile_overlayer_lowered;
	s7 =	simm.s32 $_tile_overlayer_lowered  }
0x9c: {  	s23 =	simm.s32 $0x1BFF;
	s22 =	sshll.u32 s7, $0x1;
	s4 =	sadd.s32 s5, s20  }
0x9d: {  	s8 =	simm.s32 $0x0;
	s21 =	sshll.u32 s6, $0x1;
	s6 =	sadd.s32 s22, s4  }
0x9e: {  	[timem:s8], [sflag:s23] =	dma.local [hbm:s6], s21  }
0x9f: {  	_ =	swait.ge [sflag:s23], s21  }
0xa0: {  	s5 =	ssub.s32 $0x0, s21;
	[sflag:s23] =	ssyncset.done $0x0  }
0xa1: {  	[sflag:s23] =	ssyncadd.s32 s5;
	_ =	sdelay $0x1  }
0xa2: {  	s24 =	simm.s32 $0x1B8B  }
0xa3: {  	_ =	swait.ge [sflag:s24], $0x1  }
0xa4: {  	[sflag:s24] =	ssyncset.done $0x0  }
0xa5: {  	s25 =	simm.s32 $0x1B8E;
	[sflag:s24] =	ssyncadd.s32 $0xFFFFFFFF  }
0xa6: {  	s26 =	simm.s32 $execute0_lowered;
	[smem:$0x3FD2] =	sst s25  }
0xa7: {  	s5 =	sshll.u32 s26, $0x1;
	_ =	strace $0x80000046;
	[dreg:$0x1] =	wrdreg $0xFFFFFFFF  }
0xa8: {  	s28 =	simm.s32 $_size_execute0_lowered;
	s4 =	sadd.s32 s4, s5;
	[dreg:$0x0] =	wrdreg $0x0  }
0xa9: {  	s5 =	sshll.u32 s28, $0x1;
	[dreg:$0x2] =	wrdreg s4  }
0xaa: {  	[dreg:$0x3] =	wrdreg s5  }
0xab: {  	[dreg:$0x4] =	wrdreg $0xC0  }
0xac: {  	_ =	task [dreg:s8], $0x5FFFF  }
0xad: {  	[dreg:$0x1] =	wrdreg $0xFFFFFFFF  }
0xae: {  	[dreg:$0x0] =	wrdreg $0x60  }
0xaf: {  	[dreg:$0x2] =	wrdreg s2  }
0xb0: {  	[dreg:$0x3] =	wrdreg s19  }
0xb1: {  	[dreg:$0x4] =	wrdreg $0x9  }
0xb2: {  	_ =	task.clear_ibuf [dreg:s8], $0x5FFFF;
	_ =	strace $0x90000046  }
0xb3: {  	s29 =	simm.s32 $0x9;
	_ =	strace $0x80000048  }
0xb4: {  	_ =	swait.ge [sflag:s29], $0x1  }
0xb5: {  	[sflag:s29] =	ssyncadd.s32 $0xFFFFFFFF  }
0xb6: {  	_ =	strace $0x90000048  }
0xb7: {  	_ =	sfence  }
0xb8: {  	s30 =	sld [smem:$0x0];
	_ =	sdelay $0x2  }
0xb9: {  	s31 =	sshll.u32 s1, $0xD;
	s1 =	sshrl.u32 s1, $0x2  }
0xba: {  	s3 =	sand.u32 $0x4000, s31;
	s1 =	sadd.s32 s1, s30  }
0xbb: {  	s0 =	sor.u32 s3, s0;
	s1 =	sshll.u32 s1, $0x11  }
0xbc: {  	s0 =	sor.u32 s1, s0  }
0xbd: {  	s0 =	sadd.s32 $0x8F2B, s0  }
0xbe: {  	[sflag:s0] =	ssyncadd.remote.s32 $0x1  }
0xbf: {  	_ =	sfence.sel $0xFFFF  }
0xc0: {  	[dreg:$0x0] =	wrdreg $0xFFFFFFFF;
	(pc) =	sbr.abs _section_cstart, $3  }
0xc1: {  	[dreg:$0x1] =	wrdreg $0xFFFFFFFF  }
0xc2: {  	_ =	task.clear_ibuf [dreg:s8], $0x2FFFF;
	_ =	strace $0x9FFFFFFF  }
0xc3: {  	(tm) =	ssettm $0x7FFFFFFF  }
tec
execute0_lowered:
.L_overlay_start_1:
0x0: {  	(tag) =	ssettag $0x1  }
0x1: {  	v0 =	vimm.f32 $0.0e+00;
	v1 =	vimm.s32 $0x0;
	v2 =	vimm.s32 $0x2  }
0x2: {  	v3 =	vimm.s32 $0x4;
	v4 =	vimm.s32 $0x6;
	v5 =	vimm.s32 $0x8  }
0x3: {  	v6 =	vimm.s32 $0xA;
	v8 =	vimm.s32 $0x140;
	vm3 =	vcmask $0x300  }
0x4: {  	v7 =	vimm.s32 $0xC;
	vm2 =	vcmask $0x704;
	vm0 =	vcmask $0xB08  }
0x5: {  	vm1 =	vcmask $0xF0C;
	v11 =	vlaneseq.u32;
	v13 =	vimm.s32 $0x141  }
0x6: {  	v14 =	vimm.s32 $0x142;
	v15 =	vimm.s32 $0x143;
	v16 =	vimm.s32 $0x144  }
0x7: {  	v17 =	vimm.s32 $0x145;
	v18 =	vimm.s32 $0x146;
	v19 =	vimm.s32 $0x147  }
0x8: {  	v20 =	vimm.s32 $0x148;
	v21 =	vimm.s32 $0x149;
	v22 =	vimm.s32 $0x14A  }
0x9: {  	v23 =	vimm.s32 $0x14B;
	v24 =	vimm.s32 $0x14C;
	v25 =	vimm.s32 $0x14D  }
0xa: {  	v26 =	vimm.s32 $0x14E;
	v27 =	vimm.s32 $0x14F;
	v9 =	vsel vm3, $0x100, v8  }
0xb: {  	v8 =	vimm.s32 $0xE;
	v13 =	vsel vm3, $0x101, v13;
	v14 =	vsel vm3, $0x102, v14  }
0xc: {  	v15 =	vsel vm3, $0x103, v15;
	v16 =	vsel vm3, $0x104, v16;
	v17 =	vsel vm3, $0x105, v17  }
0xd: {  	v18 =	vsel vm3, $0x106, v18;
	v19 =	vsel vm3, $0x107, v19;
	v20 =	vsel vm3, $0x108, v20  }
0xe: {  	v21 =	vsel vm3, $0x109, v21;
	v22 =	vsel vm3, $0x10A, v22;
	v23 =	vsel vm3, $0x10B, v23  }
0xf: {  	v24 =	vsel vm3, $0x10C, v24;
	v25 =	vsel vm3, $0x10D, v25;
	v26 =	vsel vm3, $0x10E, v26  }
0x10: {  	v27 =	vsel vm3, $0x10F, v27;
	v10 =	vsel vm2, $0x110, v9;
	v9 =	vimm.s32 $0x10  }
0x11: {  	v13 =	vsel vm2, $0x111, v13;
	v14 =	vsel vm2, $0x112, v14;
	v15 =	vsel vm2, $0x113, v15  }
0x12: {  	v16 =	vsel vm2, $0x114, v16;
	v17 =	vsel vm2, $0x115, v17;
	v18 =	vsel vm2, $0x116, v18  }
0x13: {  	v19 =	vsel vm2, $0x117, v19;
	v20 =	vsel vm2, $0x118, v20;
	v21 =	vsel vm2, $0x119, v21  }
0x14: {  	s1 =	srdreg.scid;
	s0 =	stileid.u32;
	v22 =	vsel vm2, $0x11A, v22;
	v23 =	vsel vm2, $0x11B, v23;
	v24 =	vsel vm2, $0x11C, v24  }
0x15: {  	s9 =	rddreg [dreg:$0x1];
	s4 =	simm.s32 $0x0;
	s13 =	simm.s32 $0x1;
	v25 =	vsel vm2, $0x11D, v25;
	v26 =	vsel vm2, $0x11E, v26;
	v27 =	vsel vm2, $0x11F, v27  }
0x16: {  	s14 =	simm.s32 $0xA800;
	s15 =	simm.s32 $0x15000;
	s16 =	simm.s32 $0x2;
	v12 =	vsel vm0, $0x120, v10;
	v10 =	vimm.s32 $0x12;
	v13 =	vsel vm0, $0x121, v13  }
0x17: {  	s17 =	simm.s32 $0x15180;
	s18 =	simm.s32 $0x3;
	s19 =	simm.s32 $0x0;
	v14 =	vsel vm0, $0x122, v14;
	v15 =	vsel vm0, $0x123, v15;
	v16 =	vsel vm0, $0x124, v16  }
0x18: {  	s5 =	sand.u32 $0x1, s1;
	s29 =	sshll.u32 s0, $0x1;
	s1 =	rddreg [dreg:$0x0];
	v17 =	vsel vm0, $0x125, v17;
	v18 =	vsel vm0, $0x126, v18;
	v19 =	vsel vm0, $0x127, v19  }
0x19: {  	s3 =	sshrl.u32 s0, $0x1;
	[smem:$0x7FF] =	sst s4;
	s8 =	sor.u32 s5, s29;
	v20 =	vsel vm0, $0x128, v20;
	v21 =	vsel vm0, $0x129, v21;
	v22 =	vsel vm0, $0x12A, v22  }
0x1a: {  	s3 =	smul.u32 $0x540000, s3;
	s5 =	ssub.s32 $0x2, s5;
	s2 =	sshll.u32 s8, $0x6;
	v23 =	vsel vm0, $0x12B, v23;
	v24 =	vsel vm0, $0x12C, v24;
	v25 =	vsel vm0, $0x12D, v25  }
0x1b: {  	s30 =	sshrl.u32 s5, $0x1;
	s31 =	sshll.u32 s8, $0x2;
	v26 =	vsel vm0, $0x12E, v26;
	v27 =	vsel vm0, $0x12F, v27;
	v12 =	vsel vm1, $0x130, v12;
	s2 =	sand.u32 $0xC0, s2  }
0x1c: {  	v13 =	vsel vm1, $0x131, v13;
	v14 =	vsel vm1, $0x132, v14;
	v15 =	vsel vm1, $0x133, v15;
	s12 =	ssub.s32 s5, s30;
	s9 =	sadd.s32 s9, s31;
	s6 =	sor.u32 $0x100, s2  }
0x1d: {  	v16 =	vsel vm1, $0x134, v16;
	v17 =	vsel vm1, $0x135, v17;
	v18 =	vsel vm1, $0x136, v18;
	s2 =	rddreg [dreg:$0x2];
	_ =	strace $0x80000047;
	s7 =	sshll.u32 s6, $0x9  }
0x1e: {  	v19 =	vsel vm1, $0x137, v19;
	v20 =	vsel vm1, $0x138, v20;
	v21 =	vsel vm1, $0x139, v21;
	s6 =	sshrl.u32 s6, $0x3;
	s10 =	sor.u32 s3, s7;
	s7 =	sadd.s32 $0x100, s1  }
0x1f: {  	v22 =	vsel vm1, $0x13A, v22;
	v23 =	vsel vm1, $0x13B, v23;
	v24 =	vsel vm1, $0x13C, v24;
	s11 =	sshrl.u32 s10, $0x3;
	s8 =	sor.u32 $0x1000, s10;
	s10 =	smax.u32 s12, $0x1  }
0x20: {  	v25 =	vsel vm1, $0x13D, v25;
	v26 =	vsel vm1, $0x13E, v26;
	v27 =	vsel vm1, $0x13F, v27;
	s12 =	simm.s32 $0x40000;
	s5 =	sadd.s32 s1, s11;
	s11 =	simm.s32 $0x800  }
.LBB2_1:
0x21: {  	[tilespmem:$0x15000] =	vst v0  }
0x22: {  	[tilespmem:$0x15010] =	vst v0  }
0x23: {  	[tilespmem:$0x15020] =	vst v0  }
0x24: {  	[tilespmem:$0x15030] =	vst v0  }
0x25: {  	[tilespmem:$0x15040] =	vst v0  }
0x26: {  	[tilespmem:$0x15050] =	vst v0  }
0x27: {  	[tilespmem:$0x15060] =	vst v0  }
0x28: {  	[tilespmem:$0x15070] =	vst v0  }
0x29: {  	[tilespmem:$0x15080] =	vst v0  }
0x2a: {  	[tilespmem:$0x15090] =	vst v0  }
0x2b: {  	[tilespmem:$0x150A0] =	vst v0  }
0x2c: {  	[tilespmem:$0x150B0] =	vst v0  }
0x2d: {  	[tilespmem:$0x150C0] =	vst v0  }
0x2e: {  	[tilespmem:$0x150D0] =	vst v0  }
0x2f: {  	[tilespmem:$0x150E0] =	vst v0  }
0x30: {  	[tilespmem:$0x150F0] =	vst v0  }
0x31: {  	[tilespmem:$0x15100] =	vst v0  }
0x32: {  	[tilespmem:$0x15110] =	vst v0  }
0x33: {  	[tilespmem:$0x15120] =	vst v0  }
0x34: {  	[tilespmem:$0x15130] =	vst v0  }
0x35: {  	[tilespmem:$0x15140] =	vst v0;
	s20 =	simm.s32 $0x0  }
0x36: {  	[tilespmem:s4], [sflag:$0x1] =	stream.strided.gather [hbm4b:s5+s11], $0xA800, s12, s11, $0x38;
	[tilespmem:$0x15200] =	vst v63  }
.LBB2_2:
0x37: {  	s21 =	sadd.s32 s6, s20  }
0x38: {  	s21 =	sshll.u32 s21, $0xC  }
0x39: {  	_ =	swait.ge [sflag:s13], $0xA800;
	s21 =	sadd.s32 s3, s21  }
0x3a: {  	[sflag:s13] =	ssyncset.done $0x0;
	s21 =	sshrl.u32 s21, $0x3  }
0x3b: {  	[sflag:s13] =	ssyncadd.s32 $0xFFFF5800;
	s21 =	sadd.s32 s21, s7  }
0x3c: {  	[tilespmem:s14], [sflag:$0x2] =	stream.strided.gather [hbm4b:s21+s11], $0xA800, s12, s11, $0x38;
	[tilespmem:$0x15200] =	vst v63  }
0x3d: {  	s21 =	simm.s32 $0x0  }
0x3e: {  	s22 =	sand.u32 $0x400, s21;
	s23 =	sand.u32 $0x380, s21  }
0x3f: {  	s24 =	sand.u32 $0x70, s21;
	s22 =	sor.u32 s23, s22  }
0x40: {  	s24 =	sor.u32 s24, s22  }
0x41: {  	v28 =	vld [tilespmem:s24+$0xA000]  }
0x42: {  	v29 =	vld [tilespmem:s24+$0x9800]  }
0x43: {  	v30 =	vld [tilespmem:s24+$0x9000]  }
0x44: {  	v32 =	vld [tilespmem:s24+$0x8800]  }
0x45: {  	v33 =	vld [tilespmem:s24+$0x8000]  }
0x46: {  	v34 =	vld [tilespmem:s24+$0x7800]  }
0x47: {  	v37 =	vld [tilespmem:s24+$0x6800]  }
0x48: {  	v38 =	vld [tilespmem:s24+$0x6000]  }
0x49: {  	v36 =	vld [tilespmem:s24+$0x7000]  }
0x4a: {  	v39 =	vld [tilespmem:s24+$0x5800]  }
0x4b: {  	v40 =	vld [tilespmem:s24+$0x5000];
	vm0 =	vgt.f32 v29, v30  }
0x4c: {  	v31 =	vld [tilespmem:s24+$0x4800];
	v29 =	vmax.f32 v30, v29;
	vm1 =	vgt.f32 v32, v33;
	v30 =	vmax.f32 v33, v32  }
0x4d: {  	v35 =	vld [tilespmem:s24+$0x4000];
	vm2 =	vgt.f32 v37, v38;
	v37 =	vmax.f32 v38, v37;
	v60 =	vsel vm0, $0x13, v10  }
0x4e: {  	v32 =	vld [tilespmem:s24+$0x3000];
	v61 =	vsel vm1, $0x11, v9;
	vm0 =	vgt.f32 v29, v30;
	v41 =	vmax.f32 v30, v29  }
0x4f: {  	v33 =	vld [tilespmem:s24+$0x2800];
	vm1 =	vgt.f32 v34, v36;
	v34 =	vmax.f32 v36, v34;
	v63 =	vsel vm2, $0xD, v7  }
0x50: {  	v30 =	vld [tilespmem:s24+$0x3800];
	v29 =	vsel vm0, v60, v61;
	vm0 =	vgt.f32 v28, v41;
	v28 =	vmax.f32 v41, v28  }
0x51: {  	v36 =	vld [tilespmem:s24+$0x2000];
	v62 =	vsel vm1, $0xF, v8;
	vm2 =	vgt.f32 v34, v37;
	v37 =	vmax.f32 v37, v34  }
0x52: {  	s23 =	simm.s32 $0x0;
	s22 =	simm.s32 $0x8;
	v34 =	vld [tilespmem:s24+$0x1800];
	vm1 =	vgt.f32 v39, v40;
	v39 =	vmax.f32 v40, v39;
	v38 =	vsel vm2, v62, v63  }
.LBB2_3:
0x53: {  	p0 =	sne.s32 s22, $0x3F8;
	v40 =	vld [tilespmem:s24+$0x1000];
	vm2 =	vgt.f32 v31, v35;
	v31 =	vmax.f32 v35, v31;
	v35 =	vsel vm1, $0xB, v6  }
0x54: {  	v41 =	vld [tilespmem:s24+$0x800];
	v42 =	vsel vm2, $0x9, v5;
	vm1 =	vgt.f32 v39, v31;
	v31 =	vmax.f32 v31, v39  }
0x55: {  	v39 =	vld [tilespmem:s24+$0x0];
	v35 =	vsel vm1, v35, v42;
	vm1 =	vgt.f32 v37, v31;
	v31 =	vmax.f32 v31, v37  }
0x56: {  	vm2 =	vgt.f32 v30, v32;
	v30 =	vmax.f32 v32, v30;
	v32 =	vsel vm1, v38, v35  }
0x57: {  	vm1 =	vgt.f32 v33, v36;
	v33 =	vmax.f32 v36, v33;
	v35 =	vsel vm2, $0x7, v4  }
0x58: {  	v36 =	vsel vm1, $0x5, v3;
	vm1 =	vgt.f32 v30, v33;
	v30 =	vmax.f32 v33, v30  }
0x59: {  	vm2 =	vgt.f32 v34, v40;
	v33 =	vmax.f32 v40, v34;
	v34 =	vsel vm1, v35, v36  }
0x5a: {  	v36 =	vsel vm2, $0x3, v2;
	vm1 =	vgt.f32 v41, v39;
	v35 =	vmax.f32 v39, v41  }
0x5b: {  	v37 =	vsel vm1, $0x1, v1;
	vm1 =	vgt.f32 v33, v35;
	v33 =	vmax.f32 v35, v33  }
0x5c: {  	v35 =	vsel vm1, v36, v37;
	vm1 =	vgt.f32 v30, v33;
	v30 =	vmax.f32 v33, v30  }
0x5d: {  	v33 =	vsel vm1, v34, v35;
	vm1 =	vgt.f32 v31, v30;
	v30 =	vmax.f32 v30, v31  }
0x5e: {  	v29 =	vsel vm0, $0x14, v29;
	v31 =	vsel vm1, v32, v33;
	vm0 =	vgt.f32 v28, v30  }
0x5f: {  	v29 =	vsel vm0, v29, v31  }
0x60: {  	v29 =	vshll.u32 v29, $0x4  }
0x61: {  	v29 =	vor.u32 v11, v29;
	_ =	sdelay $0x1  }
0x62: {  	s21 =	sadd.s32 $0x80, s21  }
0x63: {  	s25 =	sand.u32 $0x380, s22;
	s23 =	sadd.s32 $0x10, s23;
	s24 =	sand.u32 $0x400, s21  }
0x64: {  	s26 =	sand.u32 $0x70, s23;
	s24 =	sor.u32 s25, s24;
	v28 =	vmax.f32 v30, v28  }
0x65: {  	s24 =	sor.u32 s26, s24;
	[tilespmem:v29+s15+$0x0] =	vst.idx.add.f32.msk $0xffff, v28  }
0x66: {  	v28 =	vld [tilespmem:s24+$0xA000]  }
0x67: {  	v29 =	vld [tilespmem:s24+$0x9800]  }
0x68: {  	v30 =	vld [tilespmem:s24+$0x9000]  }
0x69: {  	v32 =	vld [tilespmem:s24+$0x8800]  }
0x6a: {  	v33 =	vld [tilespmem:s24+$0x8000]  }
0x6b: {  	v34 =	vld [tilespmem:s24+$0x7800]  }
0x6c: {  	v36 =	vld [tilespmem:s24+$0x7000]  }
0x6d: {  	v37 =	vld [tilespmem:s24+$0x6800]  }
0x6e: {  	v38 =	vld [tilespmem:s24+$0x6000]  }
0x6f: {  	v39 =	vld [tilespmem:s24+$0x5800]  }
0x70: {  	vm0 =	vgt.f32 v29, v30;
	v29 =	vmax.f32 v30, v29;
	v40 =	vld [tilespmem:s24+$0x5000]  }
0x71: {  	vm1 =	vgt.f32 v32, v33;
	v30 =	vmax.f32 v33, v32;
	v32 =	vsel vm0, $0x13, v10;
	v31 =	vld [tilespmem:s24+$0x4800]  }
0x72: {  	v33 =	vsel vm1, $0x11, v9;
	vm0 =	vgt.f32 v29, v30;
	v41 =	vmax.f32 v30, v29;
	v35 =	vld [tilespmem:s24+$0x4000]  }
.Ltmp0:
0x73: {  	v29 =	vsel vm0, v32, v33;
	vm0 =	vgt.f32 v28, v41;
	v30 =	vld [tilespmem:s24+$0x3800];
	(pc) =	sbr.rel @p0 .LBB2_3-.Ltmp0, $4  }
0x74: {  	vm1 =	vgt.f32 v34, v36;
	v34 =	vmax.f32 v36, v34;
	v28 =	vmax.f32 v41, v28;
	v32 =	vld [tilespmem:s24+$0x3000]  }
0x75: {  	vm2 =	vgt.f32 v37, v38;
	v37 =	vmax.f32 v38, v37;
	v38 =	vsel vm1, $0xF, v8;
	v33 =	vld [tilespmem:s24+$0x2800]  }
0x76: {  	v41 =	vsel vm2, $0xD, v7;
	vm2 =	vgt.f32 v34, v37;
	v37 =	vmax.f32 v37, v34;
	v36 =	vld [tilespmem:s24+$0x2000]  }
0x77: {  	s22 =	sadd.s32 $0x8, s22;
	vm1 =	vgt.f32 v39, v40;
	v39 =	vmax.f32 v40, v39;
	v38 =	vsel vm2, v38, v41;
	v34 =	vld [tilespmem:s24+$0x1800]  }
0x78: {  	v40 =	vld [tilespmem:s24+$0x1000];
	vm2 =	vgt.f32 v31, v35;
	v31 =	vmax.f32 v35, v31;
	v60 =	vsel vm1, $0xB, v6  }
0x79: {  	v41 =	vld [tilespmem:s24+$0x800];
	v42 =	vsel vm2, $0x9, v5;
	vm1 =	vgt.f32 v39, v31;
	v31 =	vmax.f32 v31, v39  }
0x7a: {  	v61 =	vld [tilespmem:s24+$0x0];
	vm2 =	vgt.f32 v30, v32;
	v30 =	vmax.f32 v32, v30;
	v35 =	vsel vm1, v60, v42  }
0x7b: {  	vm1 =	vgt.f32 v37, v31;
	v31 =	vmax.f32 v31, v37;
	v42 =	vsel vm2, $0x7, v4  }
0x7c: {  	v62 =	vsel vm1, v38, v35;
	vm1 =	vgt.f32 v33, v36;
	v63 =	vmax.f32 v36, v33  }
0x7d: {  	v43 =	vsel vm1, $0x5, v3;
	vm1 =	vgt.f32 v30, v63;
	v30 =	vmax.f32 v63, v30  }
0x7e: {  	vm2 =	vgt.f32 v34, v40;
	v44 =	vmax.f32 v40, v34;
	v45 =	vsel vm1, v42, v43  }
0x7f: {  	vm1 =	vgt.f32 v41, v61;
	v46 =	vmax.f32 v61, v41;
	v47 =	vsel vm2, $0x3, v2  }
0x80: {  	v48 =	vsel vm1, $0x1, v1;
	vm1 =	vgt.f32 v44, v46;
	v33 =	vmax.f32 v46, v44  }
0x81: {  	v49 =	vsel vm1, v47, v48;
	vm1 =	vgt.f32 v30, v33;
	v30 =	vmax.f32 v33, v30  }
0x82: {  	v50 =	vsel vm1, v45, v49;
	vm1 =	vgt.f32 v31, v30;
	v30 =	vmax.f32 v30, v31  }
0x83: {  	v29 =	vsel vm0, $0x14, v29;
	v31 =	vsel vm1, v62, v50;
	vm0 =	vgt.f32 v28, v30  }
0x84: {  	v29 =	vsel vm0, v29, v31  }
0x85: {  	v29 =	vshll.u32 v29, $0x4  }
0x86: {  	v29 =	vor.u32 v11, v29;
	_ =	sdelay $0x3  }
0x87: {  	p0 =	seq.s32 s20, $0x7;
	v28 =	vmax.f32 v30, v28  }
0x88: {  	s21 =	sshll.u32 @!p0 s20, $0xC;
	[tilespmem:v29+s15+$0x0] =	vst.idx.add.f32.msk $0xffff, v28  }
0x89: {  	s22 =	simm.s32 @!p0 $0x800;
	s21 =	sadd.s32 @!p0 s21, s8;
	_ =	swait.ge [sflag:s16], $0xA800  }
0x8a: {  	s23 =	simm.s32 @!p0 $0x40000;
	s21 =	sshrl.u32 @!p0 s21, $0x3;
	[sflag:s16] =	ssyncset.done $0x0  }
0x8b: {  	s24 =	simm.s32 @!p0 $0x0;
	s21 =	sadd.s32 @!p0 s1, s21;
	[sflag:s16] =	ssyncadd.s32 $0xFFFF5800  }
0x8c: {  	[tilespmem:s24], [sflag:$0x1] =	stream.strided.gather @!p0 [hbm4b:s21+s22], $0xA800, s23, s22, $0x38;
	[tilespmem:$0x15200] =	vst v63  }
0x8d: {  	s21 =	simm.s32 $0x0  }
0x8e: {  	s29 =	sand.u32 $0x400, s21;
	s30 =	sand.u32 $0x380, s21  }
0x8f: {  	s31 =	sand.u32 $0x70, s21;
	s22 =	sor.u32 s30, s29  }
0x90: {  	s24 =	sor.u32 s31, s22  }
0x91: {  	v29 =	vld [tilespmem:s24+$0x14000]  }
0x92: {  	v30 =	vld [tilespmem:s24+$0x13800]  }
0x93: {  	v51 =	vld [tilespmem:s24+$0x13000]  }
0x94: {  	v52 =	vld [tilespmem:s24+$0x12800]  }
0x95: {  	v53 =	vld [tilespmem:s24+$0x12000]  }
0x96: {  	v54 =	vld [tilespmem:s24+$0x11800]  }
0x97: {  	v55 =	vld [tilespmem:s24+$0x11000]  }
0x98: {  	v56 =	vld [tilespmem:s24+$0x10800]  }
0x99: {  	v57 =	vld [tilespmem:s24+$0x10000]  }
0x9a: {  	v58 =	vld [tilespmem:s24+$0xF800];
	_ =	sdelay $0x1  }
0x9b: {  	v28 =	vld [tilespmem:s24+$0x14800];
	vm0 =	vgt.f32 v29, v30  }
0x9c: {  	v31 =	vld [tilespmem:s24+$0xF000];
	v29 =	vmax.f32 v30, v29;
	vm1 =	vgt.f32 v51, v52;
	v30 =	vmax.f32 v52, v51  }
0x9d: {  	v35 =	vld [tilespmem:s24+$0xE800];
	v34 =	vmax.f32 v54, v53;
	vm2 =	vgt.f32 v55, v56;
	v37 =	vmax.f32 v56, v55  }
0x9e: {  	v32 =	vld [tilespmem:s24+$0xD800];
	v39 =	vmax.f32 v58, v57;
	v59 =	vsel vm0, $0x13, v10;
	v60 =	vsel vm1, $0x11, v9  }
0x9f: {  	v33 =	vld [tilespmem:s24+$0xD000];
	vm0 =	vgt.f32 v29, v30;
	v61 =	vmax.f32 v30, v29;
	vm1 =	vgt.f32 v53, v54  }
0xa0: {  	v36 =	vld [tilespmem:s24+$0xC800];
	v63 =	vsel vm2, $0xD, v7;
	vm2 =	vgt.f32 v34, v37;
	v37 =	vmax.f32 v37, v34  }
0xa1: {  	v30 =	vld [tilespmem:s24+$0xE000];
	v29 =	vsel vm0, v59, v60;
	vm0 =	vgt.f32 v28, v61;
	v62 =	vsel vm1, $0xF, v8  }
0xa2: {  	s23 =	simm.s32 $0x0;
	s22 =	simm.s32 $0x8;
	v34 =	vld [tilespmem:s24+$0xC000];
	v28 =	vmax.f32 v61, v28;
	vm1 =	vgt.f32 v57, v58;
	v38 =	vsel vm2, v62, v63  }
.LBB2_5:
0xa3: {  	p0 =	sne.s32 s22, $0x3F8;
	v40 =	vld [tilespmem:s24+$0xB800];
	vm2 =	vgt.f32 v31, v35;
	v31 =	vmax.f32 v35, v31;
	v35 =	vsel vm1, $0xB, v6  }
0xa4: {  	v41 =	vld [tilespmem:s24+$0xB000];
	v42 =	vsel vm2, $0x9, v5;
	vm1 =	vgt.f32 v39, v31;
	v31 =	vmax.f32 v31, v39  }
0xa5: {  	v39 =	vld [tilespmem:s24+$0xA800];
	v35 =	vsel vm1, v35, v42;
	vm1 =	vgt.f32 v37, v31;
	v31 =	vmax.f32 v31, v37  }
0xa6: {  	vm2 =	vgt.f32 v30, v32;
	v30 =	vmax.f32 v32, v30;
	v32 =	vsel vm1, v38, v35  }
0xa7: {  	vm1 =	vgt.f32 v33, v36;
	v33 =	vmax.f32 v36, v33;
	v35 =	vsel vm2, $0x7, v4  }
0xa8: {  	v36 =	vsel vm1, $0x5, v3;
	vm1 =	vgt.f32 v30, v33;
	v30 =	vmax.f32 v33, v30  }
0xa9: {  	vm2 =	vgt.f32 v34, v40;
	v33 =	vmax.f32 v40, v34;
	v34 =	vsel vm1, v35, v36  }
0xaa: {  	v36 =	vsel vm2, $0x3, v2;
	vm1 =	vgt.f32 v41, v39;
	v35 =	vmax.f32 v39, v41  }
0xab: {  	v37 =	vsel vm1, $0x1, v1;
	vm1 =	vgt.f32 v33, v35;
	v33 =	vmax.f32 v35, v33  }
0xac: {  	v35 =	vsel vm1, v36, v37;
	vm1 =	vgt.f32 v30, v33;
	v30 =	vmax.f32 v33, v30  }
0xad: {  	v33 =	vsel vm1, v34, v35;
	vm1 =	vgt.f32 v31, v30;
	v30 =	vmax.f32 v30, v31  }
0xae: {  	v29 =	vsel vm0, $0x14, v29;
	v31 =	vsel vm1, v32, v33;
	vm0 =	vgt.f32 v28, v30  }
0xaf: {  	v29 =	vsel vm0, v29, v31  }
0xb0: {  	v29 =	vshll.u32 v29, $0x4  }
0xb1: {  	v29 =	vor.u32 v11, v29;
	_ =	sdelay $0x1  }
0xb2: {  	s21 =	sadd.s32 $0x80, s21  }
0xb3: {  	s25 =	sand.u32 $0x380, s22;
	s23 =	sadd.s32 $0x10, s23;
	s24 =	sand.u32 $0x400, s21  }
0xb4: {  	s26 =	sand.u32 $0x70, s23;
	s24 =	sor.u32 s25, s24;
	v28 =	vmax.f32 v30, v28  }
0xb5: {  	s24 =	sor.u32 s26, s24;
	[tilespmem:v29+s15+$0x0] =	vst.idx.add.f32.msk $0xffff, v28  }
0xb6: {  	v28 =	vld [tilespmem:s24+$0x14800]  }
0xb7: {  	v29 =	vld [tilespmem:s24+$0x14000]  }
0xb8: {  	v30 =	vld [tilespmem:s24+$0x13800]  }
0xb9: {  	v32 =	vld [tilespmem:s24+$0x13000]  }
0xba: {  	v33 =	vld [tilespmem:s24+$0x12800]  }
0xbb: {  	v34 =	vld [tilespmem:s24+$0x12000]  }
0xbc: {  	v36 =	vld [tilespmem:s24+$0x11800]  }
0xbd: {  	v37 =	vld [tilespmem:s24+$0x11000]  }
0xbe: {  	v38 =	vld [tilespmem:s24+$0x10800]  }
0xbf: {  	v39 =	vld [tilespmem:s24+$0x10000]  }
0xc0: {  	vm0 =	vgt.f32 v29, v30;
	v29 =	vmax.f32 v30, v29;
	v40 =	vld [tilespmem:s24+$0xF800]  }
0xc1: {  	vm1 =	vgt.f32 v32, v33;
	v30 =	vmax.f32 v33, v32;
	v32 =	vsel vm0, $0x13, v10;
	v31 =	vld [tilespmem:s24+$0xF000]  }
0xc2: {  	v33 =	vsel vm1, $0x11, v9;
	vm0 =	vgt.f32 v29, v30;
	v41 =	vmax.f32 v30, v29;
	v35 =	vld [tilespmem:s24+$0xE800]  }
.Ltmp1:
0xc3: {  	v29 =	vsel vm0, v32, v33;
	vm0 =	vgt.f32 v28, v41;
	v30 =	vld [tilespmem:s24+$0xE000];
	(pc) =	sbr.rel @p0 .LBB2_5-.Ltmp1, $4  }
0xc4: {  	vm1 =	vgt.f32 v34, v36;
	v34 =	vmax.f32 v36, v34;
	v28 =	vmax.f32 v41, v28;
	v32 =	vld [tilespmem:s24+$0xD800]  }
0xc5: {  	vm2 =	vgt.f32 v37, v38;
	v37 =	vmax.f32 v38, v37;
	v38 =	vsel vm1, $0xF, v8;
	v33 =	vld [tilespmem:s24+$0xD000]  }
0xc6: {  	v41 =	vsel vm2, $0xD, v7;
	vm2 =	vgt.f32 v34, v37;
	v37 =	vmax.f32 v37, v34;
	v36 =	vld [tilespmem:s24+$0xC800]  }
0xc7: {  	s22 =	sadd.s32 $0x8, s22;
	vm1 =	vgt.f32 v39, v40;
	v39 =	vmax.f32 v40, v39;
	v38 =	vsel vm2, v38, v41;
	v34 =	vld [tilespmem:s24+$0xC000]  }
0xc8: {  	v40 =	vld [tilespmem:s24+$0xB800];
	vm2 =	vgt.f32 v31, v35;
	v48 =	vmax.f32 v35, v31;
	v49 =	vsel vm1, $0xB, v6  }
0xc9: {  	v41 =	vld [tilespmem:s24+$0xB000];
	v42 =	vsel vm2, $0x9, v5;
	vm5 =	vgt.f32 v39, v48;
	v31 =	vmax.f32 v48, v39  }
0xca: {  	v50 =	vld [tilespmem:s24+$0xA800];
	vm7 =	vgt.f32 v30, v32;
	v51 =	vmax.f32 v32, v30;
	v35 =	vsel vm5, v49, v42  }
0xcb: {  	vm6 =	vgt.f32 v37, v31;
	v31 =	vmax.f32 v31, v37;
	v54 =	vsel vm7, $0x7, v4  }
0xcc: {  	v52 =	vsel vm6, v38, v35;
	vm8 =	vgt.f32 v33, v36;
	v53 =	vmax.f32 v36, v33  }
0xcd: {  	v55 =	vsel vm8, $0x5, v3;
	vm9 =	vgt.f32 v51, v53;
	v30 =	vmax.f32 v53, v51  }
0xce: {  	vm10 =	vgt.f32 v34, v40;
	v56 =	vmax.f32 v40, v34;
	v57 =	vsel vm9, v54, v55  }
0xcf: {  	vm11 =	vgt.f32 v41, v50;
	v58 =	vmax.f32 v50, v41;
	v59 =	vsel vm10, $0x3, v2  }
0xd0: {  	v60 =	vsel vm11, $0x1, v1;
	vm12 =	vgt.f32 v56, v58;
	v33 =	vmax.f32 v58, v56  }
0xd1: {  	v61 =	vsel vm12, v59, v60;
	vm13 =	vgt.f32 v30, v33;
	v30 =	vmax.f32 v33, v30  }
0xd2: {  	v62 =	vsel vm13, v57, v61;
	vm14 =	vgt.f32 v31, v30;
	v30 =	vmax.f32 v30, v31  }
0xd3: {  	v29 =	vsel vm0, $0x14, v29;
	v63 =	vsel vm14, v52, v62;
	vm15 =	vgt.f32 v28, v30  }
0xd4: {  	v29 =	vsel vm15, v29, v63  }
0xd5: {  	s20 =	sadd.s32 $0x1, s20;
	v29 =	vshll.u32 v29, $0x4  }
0xd6: {  	p0 =	sne.s32 s20, $0x8;
	v29 =	vor.u32 v11, v29  }
.Ltmp2:
0xd7: {  	_ = 	snop;
	(pc) =	sbr.rel @p0 .LBB2_2-.Ltmp2, $3  }
0xd8: {  	_ =	sdelay $0x1  }
0xd9: {  	v28 =	vmax.f32 v30, v28  }
0xda: {  	[tilespmem:v29+s15+$0x0] =	vst.idx.add.f32.msk $0xffff, v28  }
0xdb: {  	v28 =	vmul.u32 $0x10, v11;
	_ =	sdelay $0x2  }
0xdc: {  	v29 =	vor.u32 $0x1, v28;
	_ =	sdelay $0x1  }
0xdd: {  	v32 =	vld.idx.msk [tilespmem:v12+s15+$0x0], $0xffff;
	v30 =	vor.u32 $0x2, v28  }
0xde: {  	v31 =	vld.idx.msk [tilespmem:v28+s15+$0x0], $0xffff  }
0xdf: {  	v34 =	vld.idx.msk [tilespmem:v13+s15+$0x0], $0xffff;
	v33 =	vor.u32 $0x3, v28  }
0xe0: {  	v29 =	vld.idx.msk [tilespmem:v29+s15+$0x0], $0xffff  }
0xe1: {  	v36 =	vld.idx.msk [tilespmem:v14+s15+$0x0], $0xffff;
	v35 =	vor.u32 $0x4, v28  }
0xe2: {  	v30 =	vld.idx.msk [tilespmem:v30+s15+$0x0], $0xffff  }
0xe3: {  	v38 =	vld.idx.msk [tilespmem:v15+s15+$0x0], $0xffff;
	v37 =	vor.u32 $0x5, v28;
	v32 =	vadd.f32 $0.0e+00, v32;
	v31 =	vadd.f32 $0.0e+00, v31  }
0xe4: {  	v33 =	vld.idx.msk [tilespmem:v33+s15+$0x0], $0xffff  }
0xe5: {  	v55 =	vld.idx.msk [tilespmem:v16+s15+$0x0], $0xffff;
	v39 =	vor.u32 $0x6, v28;
	v53 =	vadd.f32 v34, v32;
	v29 =	vadd.f32 v29, v31  }
0xe6: {  	v54 =	vld.idx.msk [tilespmem:v35+s15+$0x0], $0xffff  }
0xe7: {  	v59 =	vld.idx.msk [tilespmem:v17+s15+$0x0], $0xffff;
	v56 =	vor.u32 $0x7, v28;
	v57 =	vadd.f32 v36, v53;
	v29 =	vadd.f32 v30, v29  }
0xe8: {  	v58 =	vld.idx.msk [tilespmem:v37+s15+$0x0], $0xffff  }
0xe9: {  	v62 =	vld.idx.msk [tilespmem:v18+s15+$0x0], $0xffff;
	v60 =	vor.u32 $0x8, v28;
	v30 =	vadd.f32 v38, v57;
	v29 =	vadd.f32 v33, v29  }
0xea: {  	v61 =	vld.idx.msk [tilespmem:v39+s15+$0x0], $0xffff  }
0xeb: {  	v43 =	vld.idx.msk [tilespmem:v19+s15+$0x0], $0xffff;
	v63 =	vor.u32 $0x9, v28;
	v30 =	vadd.f32 v55, v30;
	v29 =	vadd.f32 v54, v29  }
0xec: {  	v42 =	vld.idx.msk [tilespmem:v56+s15+$0x0], $0xffff  }
0xed: {  	v46 =	vld.idx.msk [tilespmem:v20+s15+$0x0], $0xffff;
	v44 =	vor.u32 $0xA, v28;
	v30 =	vadd.f32 v59, v30;
	v29 =	vadd.f32 v58, v29  }
0xee: {  	v45 =	vld.idx.msk [tilespmem:v60+s15+$0x0], $0xffff  }
0xef: {  	v49 =	vld.idx.msk [tilespmem:v21+s15+$0x0], $0xffff;
	v47 =	vor.u32 $0xB, v28;
	v30 =	vadd.f32 v62, v30;
	v29 =	vadd.f32 v61, v29  }
0xf0: {  	v50 =	vor.u32 $0xC, v28;
	v48 =	vld.idx.msk [tilespmem:v63+s15+$0x0], $0xffff  }
0xf1: {  	v52 =	vld.idx.msk [tilespmem:v22+s15+$0x0], $0xffff;
	v30 =	vadd.f32 v43, v30;
	v29 =	vadd.f32 v42, v29  }
0xf2: {  	v51 =	vld.idx.msk [tilespmem:v44+s15+$0x0], $0xffff  }
0xf3: {  	v53 =	vor.u32 $0xD, v28;
	v55 =	vld.idx.msk [tilespmem:v23+s15+$0x0], $0xffff;
	v30 =	vadd.f32 v46, v30;
	v29 =	vadd.f32 v45, v29  }
0xf4: {  	v54 =	vld.idx.msk [tilespmem:v47+s15+$0x0], $0xffff  }
0xf5: {  	v56 =	vor.u32 $0xE, v28;
	v57 =	vld.idx.msk [tilespmem:v50+s15+$0x0], $0xffff;
	v30 =	vadd.f32 v49, v30;
	v29 =	vadd.f32 v48, v29  }
0xf6: {  	v58 =	vld.idx.msk [tilespmem:v24+s15+$0x0], $0xffff  }
0xf7: {  	v60 =	vld.idx.msk [tilespmem:v25+s15+$0x0], $0xffff;
	v28 =	vor.u32 $0xF, v28;
	v30 =	vadd.f32 v52, v30;
	v29 =	vadd.f32 v51, v29  }
0xf8: {  	v59 =	vld.idx.msk [tilespmem:v53+s15+$0x0], $0xffff  }
0xf9: {  	v62 =	vld.idx.msk [tilespmem:v26+s15+$0x0], $0xffff;
	v30 =	vadd.f32 v55, v30;
	v29 =	vadd.f32 v54, v29  }
0xfa: {  	v61 =	vld.idx.msk [tilespmem:v56+s15+$0x0], $0xffff  }
0xfb: {  	v63 =	vld.idx.msk [tilespmem:v27+s15+$0x0], $0xffff;
	v30 =	vadd.f32 v58, v30;
	v29 =	vadd.f32 v57, v29  }
0xfc: {  	v28 =	vld.idx.msk [tilespmem:v28+s15+$0x0], $0xffff  }
0xfd: {  	v30 =	vadd.f32 v60, v30;
	v29 =	vadd.f32 v59, v29;
	_ =	sdelay $0x1  }
0xfe: {  	v30 =	vadd.f32 v62, v30;
	v29 =	vadd.f32 v61, v29;
	_ =	sdelay $0x1  }
0xff: {  	v28 =	vadd.f32 v28, v29;
	v29 =	vadd.f32 v63, v30  }
0x100: {  	vm0 =	vmmov $0x1f;
	s19 =	sadd.s32 $0x1, s19  }
0x101: {  	p0 =	sne.s32 s19, s10;
	v29 =	vnsel vm0, $0x0, v29;
	[tilespmem:$0x15180] =	vst v28  }
.Ltmp3:
0x102: {  	[tilespmem:$0x15190] =	vst v29;
	(pc) =	sbr.rel @p0 .LBB2_1-.Ltmp3, $4  }
0x103: {  	[hbm4b:s9+s4] =	stream.linear.scatter [tilespmem:s17], [sflag:$0x3], $0x20, $0x38;
	[tilespmem:$0x15200] =	vst v63  }
0x104: {  	_ =	swait.ge [sflag:s18], $0x20  }
0x105: {  	[sflag:s18] =	ssyncset.done $0x0  }
0x106: {  	[sflag:s18] =	ssyncadd.s32 $0xFFFFFFE0  }
0x107: {  	_ =	sfence.sel $0x180000  }
0x108: {  	[bflag:$0x0] =	sbarrier.arrive $0xFFFF  }
0x109: {  	p0 =	sne.s32 s0, $0x0;
	_ =	strace $0x90000047  }
0x10a: {  	s0 =	sadd.s32 @!p0 $0x100000, s2;
	[bflag:$0x2] =	sbarrier.arrive $0xFFFF  }
0x10b: {  	[sflag:s0] =	ssyncadd.tile.s32 @!p0 $0x1;
	_ =	shalt  }
.Lfunc_end2:
_tile_overlayer_lowered:
.L_overlay_start_2:
0x10c: {  	(tag) =	ssettag $0x2  }
0x10d: {  	s0 =	rddreg [dreg:$0x0];
	s2 =	stileid.u32  }
0x10e: {  	s1 =	rddreg [dreg:$0x1];
	p0 =	sne.s32 s2, $0x0  }
0x10f: {  	s3 =	rddreg [dreg:$0x2];
	[bflag:$0x3] =	sbarrier.arrive $0xFFFF;
	s2 =	simm.s32 @!p0 $0x1C03  }
0x110: {  	[timem:s3], [sflag:s2] =	dma.local @!p0 [hbm:s0], s1  }
0x111: {  	s0 =	simm.s32 @!p0 $0x3  }
0x112: {  	_ =	swait.ge @!p0 [sflag:s0], s1  }
0x113: {  	s1 =	ssub.s32 @!p0 $0x0, s1;
	[sflag:s0] =	ssyncset.done @!p0 $0x0  }
0x114: {  	[sflag:s0] =	ssyncadd.s32 @!p0 s1  }
0x115: {  	[bflag:$0x3] =	sbarrier.arrive $0xFFFF  }
0x116: {  	_ =	shalt  }

</sc_bundles>
